<compile_context>
chip_gen: v7x
topology: tpu7x:2x2x1
jax: 0.10.2.dev20260603
libtpu: 0.0.44.dev20260713+nightly
codegen_flags: <defaults>
</compile_context>

<pallas_src>
import jax
import jax.numpy as jnp
from jax import lax
from jax.experimental import pallas as pl
from jax.experimental.pallas import tpu as pltpu
from jax.experimental.pallas import tpu_sc as plsc

N_NODES = 10000
N_EDGES = 320000
D = 128
NC = 2
NS = 16
NW = NC * NS
EPW = N_EDGES // NW
LIST = 96
CHUNK = 2 * LIST
NFULL = EPW // CHUNK
TAIL = EPW - NFULL * CHUNK


def _sc_body(msg_hbm, prev_hbm, idx_hbm, out_hbm,
             idx_v, pv0, pv1, rv0, rv1, tail_comb,
             ia0, ib0, ia1, ib1,
             ps0, gs0, ws0, ps1, gs1, ws1, tsem):
    wid = lax.axis_index("s") * NC + lax.axis_index("c")
    base = wid * EPW
    pltpu.sync_copy(idx_hbm.at[pl.ds(base, EPW)], idx_v)

    pbufs = (pv0, pv1)
    rbufs = (rv0, rv1)
    islots = ((ia0, ib0), (ia1, ib1))
    sems = ((ps0, gs0, ws0), (ps1, gs1, ws1))

    tb = base + NFULL * CHUNK
    tprev = pltpu.make_async_copy(
        prev_hbm.at[pl.ds(tb, TAIL)], tail_comb.at[:, pl.ds(0, D)], tsem)
    tgat = pltpu.make_async_copy(
        msg_hbm.at[idx_v.at[pl.ds(NFULL * CHUNK, TAIL)]],
        tail_comb.at[:, pl.ds(D, D)], tsem)
    tprev.start()
    tgat.start()

    def fill_copies(g, k):
        cb = base + g * CHUNK
        ps, gs, _ = sems[k]
        ia, ib = islots[k]
        return (
            pltpu.make_async_copy(prev_hbm.at[pl.ds(cb, CHUNK)], pbufs[k], ps),
            pltpu.make_async_copy(
                msg_hbm.at[ia], rbufs[k].at[pl.ds(0, LIST)], gs),
            pltpu.make_async_copy(
                msg_hbm.at[ib], rbufs[k].at[pl.ds(LIST, LIST)], gs),
        )

    def scatter_copies(g, k):
        cb = base + g * CHUNK
        ws = sems[k][2]
        return (
            pltpu.make_async_copy(
                pbufs[k], out_hbm.at[pl.ds(cb, CHUNK), pl.ds(0, D)], ws),
            pltpu.make_async_copy(
                rbufs[k], out_hbm.at[pl.ds(cb, CHUNK), pl.ds(D, D)], ws),
        )

    def start_fill(g, k):
        ia, ib = islots[k]
        for j in range(LIST // 16):
            ia[pl.ds(j * 16, 16)] = idx_v[pl.ds(g * CHUNK + j * 16, 16)]
        for j in range(LIST // 16):
            ib[pl.ds(j * 16, 16)] = idx_v[pl.ds(g * CHUNK + LIST + j * 16, 16)]
        for c in fill_copies(g, k):
            c.start()

    def wait_fill(g, k):
        for c in fill_copies(g, k):
            c.wait()

    def start_scatter(g, k):
        for c in scatter_copies(g, k):
            c.start()

    def wait_scatter(g, k):
        for c in scatter_copies(g, k):
            c.wait()

    start_fill(0, 0)
    wait_fill(0, 0)
    start_scatter(0, 0)
    start_fill(1, 1)

    NPAIR = (NFULL - 2) // 2

    def pair(p, _):
        for k in (1, 0):
            g = 2 * p + (1 if k == 1 else 2)
            wait_fill(g, k)
            start_scatter(g, k)
            wait_scatter(g - 1, 1 - k)
            start_fill(g + 1, 1 - k)
        return 0

    lax.fori_loop(0, NPAIR, pair, 0)

    g = NFULL - 1
    wait_fill(g, 1)
    start_scatter(g, 1)
    wait_scatter(g - 1, 0)
    wait_scatter(g, 1)

    tprev.wait()
    tgat.wait()
    pltpu.sync_copy(tail_comb, out_hbm.at[pl.ds(tb, TAIL)])


def kernel(msg, msg_prev, edge_idx):
    idx = edge_idx[1].astype(jnp.int32)
    mesh = plsc.VectorSubcoreMesh(
        core_axis_name="c", subcore_axis_name="s",
        num_cores=NC, num_subcores=NS)
    f = pl.kernel(
        _sc_body,
        out_type=jax.ShapeDtypeStruct((N_EDGES, 2 * D), jnp.float32),
        mesh=mesh,
        scratch_types=[
            pltpu.VMEM((EPW,), jnp.int32),
            pltpu.VMEM((CHUNK, D), jnp.float32),
            pltpu.VMEM((CHUNK, D), jnp.float32),
            pltpu.VMEM((CHUNK, D), jnp.float32),
            pltpu.VMEM((CHUNK, D), jnp.float32),
            pltpu.VMEM((TAIL, 2 * D), jnp.float32),
            pltpu.VMEM((LIST,), jnp.int32),
            pltpu.VMEM((LIST,), jnp.int32),
            pltpu.VMEM((LIST,), jnp.int32),
            pltpu.VMEM((LIST,), jnp.int32),
        ] + [pltpu.SemaphoreType.DMA] * 7,
    )
    return f(msg, msg_prev, idx)

# --- scband reference (transcript-rebuilt; emitter-appended) ---
"""Pipeline reference for scband-unpooling-module-33397665694050 (READ-ONLY COPY).

The authoritative reference and input builder live on the scoring server;
editing this copy changes nothing except your own understanding.
"""

import jax, jax.numpy as jnp
import numpy as np

N_NODES = 10000
N_EDGES = 320000
D_FEAT = 128

def setup_inputs(seed: int = 0) -> dict:
    key = jax.random.key(seed)
    k1, k2, k3 = jax.random.split(key, 3)
    msg = jax.random.normal(k1, (N_NODES, D_FEAT), dtype=jnp.float32)
    msg_prev = jax.random.normal(k2, (N_EDGES, D_FEAT), dtype=jnp.float32)
    edge_idx = jax.random.randint(k3, (2, N_EDGES), 0, N_NODES, dtype=jnp.int64)
    return {"msg": msg, "msg_prev": msg_prev, "edge_idx": edge_idx}

def reference(msg, msg_prev, edge_idx):
    # msg = msg.index_select(index=edge_idx[1], dim=0)
    gathered = jnp.take(msg, edge_idx[1], axis=0)
    # msg = torch.cat([msg_prev, msg], dim=-1)
    out = jnp.concatenate([msg_prev, gathered], axis=-1)
    return out

if __name__ == "__main__":
    import jax
    _d = setup_inputs()
    print(jax.jit(kernel)(*tuple(_d.values())))

</pallas_src>

<mosaic_0001>
#map = affine_map<(d0, d1) -> (0, 0)>
#map1 = affine_map<(d0, d1) -> (0)>
module attributes {stable_mosaic.version = 14 : i64} {
  func.func @_sc_body(%arg0: i32, %arg1: i32, %arg2: memref<10000x128xf32, #tpu.memory_space<hbm>>, %arg3: memref<320000x128xf32, #tpu.memory_space<hbm>>, %arg4: memref<320000xi32, #tpu.memory_space<hbm>>, %arg5: memref<320000x256xf32, #tpu.memory_space<hbm>>, %arg6: memref<10000xi32, #tpu.memory_space<vmem>>, %arg7: memref<192x128xf32, #tpu.memory_space<vmem>>, %arg8: memref<192x128xf32, #tpu.memory_space<vmem>>, %arg9: memref<192x128xf32, #tpu.memory_space<vmem>>, %arg10: memref<192x128xf32, #tpu.memory_space<vmem>>, %arg11: memref<16x256xf32, #tpu.memory_space<vmem>>, %arg12: memref<96xi32, #tpu.memory_space<vmem>>, %arg13: memref<96xi32, #tpu.memory_space<vmem>>, %arg14: memref<96xi32, #tpu.memory_space<vmem>>, %arg15: memref<96xi32, #tpu.memory_space<vmem>>, %arg16: memref<!tpu.dma_semaphore, #tpu.memory_space<semaphore_mem>>, %arg17: memref<!tpu.dma_semaphore, #tpu.memory_space<semaphore_mem>>, %arg18: memref<!tpu.dma_semaphore, #tpu.memory_space<semaphore_mem>>, %arg19: memref<!tpu.dma_semaphore, #tpu.memory_space<semaphore_mem>>, %arg20: memref<!tpu.dma_semaphore, #tpu.memory_space<semaphore_mem>>, %arg21: memref<!tpu.dma_semaphore, #tpu.memory_space<semaphore_mem>>, %arg22: memref<!tpu.dma_semaphore, #tpu.memory_space<semaphore_mem>>) attributes {dimension_semantics = [#tpu.dimension_semantics<core_parallel>, #tpu.dimension_semantics<subcore_parallel>], iteration_bounds = array<i64: 2, 16>, scalar_prefetch = 0 : i64, scratch_operands = 17 : i64, tpu.core_type = #tpu.core_type<sc_vector_subcore>, window_params = [{transform_indices = #map}, {transform_indices = #map}, {transform_indices = #map1}, {transform_indices = #map}]} {
    %mul3A = arith.constant 2 : i32
    %mul3A_0 = arith.muli %arg1, %mul3A : i32
    %add3A = arith.addi %mul3A_0, %arg0 : i32
    %mul3A_1 = arith.constant 10000 : i32
    %mul3A_2 = arith.muli %add3A, %mul3A_1 : i32
    "tpu.region"() ({
      %run_scoped3A = tpu.sem_alloc : memref<!tpu.dma_semaphore, #tpu.memory_space<semaphore_mem>>
      %dma_start3A_323 = tpu.memref_slice %arg4[%mul3A_2] : memref<320000xi32, #tpu.memory_space<hbm>> -> memref<10000xi32, #tpu.memory_space<hbm>>
      %dma_start3A_324 = tpu.memref_slice %arg4[%mul3A_2] : memref<320000xi32, #tpu.memory_space<hbm>> -> memref<10000xi32, #tpu.memory_space<hbm>>
      tpu.enqueue_dma source(%dma_start3A_324 : memref<10000xi32, #tpu.memory_space<hbm>>) target(%arg6 : memref<10000xi32, #tpu.memory_space<vmem>>) target_semaphore(%run_scoped3A : memref<!tpu.dma_semaphore, #tpu.memory_space<semaphore_mem>>)
      %dma_wait3A_325 = tpu.memref_slice %arg4[%mul3A_2] : memref<320000xi32, #tpu.memory_space<hbm>> -> memref<10000xi32, #tpu.memory_space<hbm>>
      %dma_wait3A_326 = tpu.memref_slice %arg4[%mul3A_2] : memref<320000xi32, #tpu.memory_space<hbm>> -> memref<10000xi32, #tpu.memory_space<hbm>>
      tpu.wait_dma2 semaphore(%run_scoped3A : memref<!tpu.dma_semaphore, #tpu.memory_space<semaphore_mem>>) src(%dma_wait3A_326 : memref<10000xi32, #tpu.memory_space<hbm>>) dst(%arg6 : memref<10000xi32, #tpu.memory_space<vmem>>)
      tpu.yield
    }) : () -> ()
    %add3A_3 = arith.constant 9984 : i32
    %add3A_4 = arith.addi %mul3A_2, %add3A_3 : i32
    %dma_start3A = arith.constant 0 : i32
    %dma_start3A_5 = arith.constant 0 : i32
    %dma_start3A_6 = tpu.memref_slice %arg11[%dma_start3A, %dma_start3A_5] : memref<16x256xf32, #tpu.memory_space<vmem>> -> memref<16x128xf32, #tpu.memory_space<vmem>>
    %dma_start3A_7 = arith.constant 0 : i32
    %dma_start3A_8 = tpu.memref_slice %arg3[%add3A_4, %dma_start3A_7] : memref<320000x128xf32, #tpu.memory_space<hbm>> -> memref<16x128xf32, #tpu.memory_space<hbm>>
    %dma_start3A_9 = arith.constant 0 : i32
    %dma_start3A_10 = arith.constant 0 : i32
    %dma_start3A_11 = tpu.memref_slice %arg11[%dma_start3A_9, %dma_start3A_10] : memref<16x256xf32, #tpu.memory_space<vmem>> -> memref<16x128xf32, #tpu.memory_space<vmem>>
    %dma_start3A_12 = arith.constant 0 : i32
    %dma_start3A_13 = tpu.memref_slice %arg3[%add3A_4, %dma_start3A_12] : memref<320000x128xf32, #tpu.memory_space<hbm>> -> memref<16x128xf32, #tpu.memory_space<hbm>>
    tpu.enqueue_dma source(%dma_start3A_13 : memref<16x128xf32, #tpu.memory_space<hbm>>) target(%dma_start3A_11 : memref<16x128xf32, #tpu.memory_space<vmem>>) target_semaphore(%arg22 : memref<!tpu.dma_semaphore, #tpu.memory_space<semaphore_mem>>)
    %dma_start3A_14 = arith.constant 0 : i32
    %dma_start3A_15 = arith.constant 128 : i32
    %dma_start3A_16 = tpu.memref_slice %arg11[%dma_start3A_14, %dma_start3A_15] : memref<16x256xf32, #tpu.memory_space<vmem>> -> memref<16x128xf32, #tpu.memory_space<vmem>>
    %dma_start3A_17 = arith.constant 9984 : i32
    %dma_start3A_18 = tpu.memref_slice %arg6[%dma_start3A_17] : memref<10000xi32, #tpu.memory_space<vmem>> -> memref<16xi32, #tpu.memory_space<vmem>>
    %dma_start3A_19 = arith.constant 0 : i32
    %dma_start3A_20 = arith.constant 0 : i32
    %dma_start3A_21 = tpu.memref_slice %arg2[%dma_start3A_19, %dma_start3A_20] : memref<10000x128xf32, #tpu.memory_space<hbm>> -> memref<10000x128xf32, #tpu.memory_space<hbm>>
    tpu.enqueue_indirect_dma source(%dma_start3A_21 : memref<10000x128xf32, #tpu.memory_space<hbm>>) target(%dma_start3A_16 : memref<16x128xf32, #tpu.memory_space<vmem>>) offsets(%dma_start3A_18 : memref<16xi32, #tpu.memory_space<vmem>>) semaphore(%arg22 : memref<!tpu.dma_semaphore, #tpu.memory_space<semaphore_mem>>)
    %get3A = arith.constant 0 : index
    %get3A_22 = tpu.vector_load %arg6[%get3A] {strides = array<i32>} : memref<10000xi32, #tpu.memory_space<vmem>>, vector<16xi32>,
    %get3A_23 = vector.shape_cast %get3A_22 : vector<16xi32> to vector<16xi32>
    %swap3A = arith.constant 0 : index
    %swap3A_24 = tpu.vector_load %arg12[%swap3A] {strides = array<i32>} : memref<96xi32, #tpu.memory_space<vmem>>, vector<16xi32>,
    %swap3A_25 = vector.shape_cast %swap3A_24 : vector<16xi32> to vector<16xi32>
    %swap3A_26 = vector.shape_cast %get3A_23 : vector<16xi32> to vector<16xi32>
    tpu.vector_store %arg12[%swap3A], %swap3A_26 {strides = array<i32>} : memref<96xi32, #tpu.memory_space<vmem>>, vector<16xi32>,
    %get3A_27 = arith.constant 16 : index
    %get3A_28 = tpu.vector_load %arg6[%get3A_27] {strides = array<i32>} : memref<10000xi32, #tpu.memory_space<vmem>>, vector<16xi32>,
    %get3A_29 = vector.shape_cast %get3A_28 : vector<16xi32> to vector<16xi32>
    %swap3A_30 = arith.constant 16 : index
    %swap3A_31 = tpu.vector_load %arg12[%swap3A_30] {strides = array<i32>} : memref<96xi32, #tpu.memory_space<vmem>>, vector<16xi32>,
    %swap3A_32 = vector.shape_cast %swap3A_31 : vector<16xi32> to vector<16xi32>
    %swap3A_33 = vector.shape_cast %get3A_29 : vector<16xi32> to vector<16xi32>
    tpu.vector_store %arg12[%swap3A_30], %swap3A_33 {strides = array<i32>} : memref<96xi32, #tpu.memory_space<vmem>>, vector<16xi32>,
    %get3A_34 = arith.constant 32 : index
    %get3A_35 = tpu.vector_load %arg6[%get3A_34] {strides = array<i32>} : memref<10000xi32, #tpu.memory_space<vmem>>, vector<16xi32>,
    %get3A_36 = vector.shape_cast %get3A_35 : vector<16xi32> to vector<16xi32>
    %swap3A_37 = arith.constant 32 : index
    %swap3A_38 = tpu.vector_load %arg12[%swap3A_37] {strides = array<i32>} : memref<96xi32, #tpu.memory_space<vmem>>, vector<16xi32>,
    %swap3A_39 = vector.shape_cast %swap3A_38 : vector<16xi32> to vector<16xi32>
    %swap3A_40 = vector.shape_cast %get3A_36 : vector<16xi32> to vector<16xi32>
    tpu.vector_store %arg12[%swap3A_37], %swap3A_40 {strides = array<i32>} : memref<96xi32, #tpu.memory_space<vmem>>, vector<16xi32>,
    %get3A_41 = arith.constant 48 : index
    %get3A_42 = tpu.vector_load %arg6[%get3A_41] {strides = array<i32>} : memref<10000xi32, #tpu.memory_space<vmem>>, vector<16xi32>,
    %get3A_43 = vector.shape_cast %get3A_42 : vector<16xi32> to vector<16xi32>
    %swap3A_44 = arith.constant 48 : index
    %swap3A_45 = tpu.vector_load %arg12[%swap3A_44] {strides = array<i32>} : memref<96xi32, #tpu.memory_space<vmem>>, vector<16xi32>,
    %swap3A_46 = vector.shape_cast %swap3A_45 : vector<16xi32> to vector<16xi32>
    %swap3A_47 = vector.shape_cast %get3A_43 : vector<16xi32> to vector<16xi32>
    tpu.vector_store %arg12[%swap3A_44], %swap3A_47 {strides = array<i32>} : memref<96xi32, #tpu.memory_space<vmem>>, vector<16xi32>,
    %get3A_48 = arith.constant 64 : index
    %get3A_49 = tpu.vector_load %arg6[%get3A_48] {strides = array<i32>} : memref<10000xi32, #tpu.memory_space<vmem>>, vector<16xi32>,
    %get3A_50 = vector.shape_cast %get3A_49 : vector<16xi32> to vector<16xi32>
    %swap3A_51 = arith.constant 64 : index
    %swap3A_52 = tpu.vector_load %arg12[%swap3A_51] {strides = array<i32>} : memref<96xi32, #tpu.memory_space<vmem>>, vector<16xi32>,
    %swap3A_53 = vector.shape_cast %swap3A_52 : vector<16xi32> to vector<16xi32>
    %swap3A_54 = vector.shape_cast %get3A_50 : vector<16xi32> to vector<16xi32>
    tpu.vector_store %arg12[%swap3A_51], %swap3A_54 {strides = array<i32>} : memref<96xi32, #tpu.memory_space<vmem>>, vector<16xi32>,
    %get3A_55 = arith.constant 80 : index
    %get3A_56 = tpu.vector_load %arg6[%get3A_55] {strides = array<i32>} : memref<10000xi32, #tpu.memory_space<vmem>>, vector<16xi32>,
    %get3A_57 = vector.shape_cast %get3A_56 : vector<16xi32> to vector<16xi32>
    %swap3A_58 = arith.constant 80 : index
    %swap3A_59 = tpu.vector_load %arg12[%swap3A_58] {strides = array<i32>} : memref<96xi32, #tpu.memory_space<vmem>>, vector<16xi32>,
    %swap3A_60 = vector.shape_cast %swap3A_59 : vector<16xi32> to vector<16xi32>
    %swap3A_61 = vector.shape_cast %get3A_57 : vector<16xi32> to vector<16xi32>
    tpu.vector_store %arg12[%swap3A_58], %swap3A_61 {strides = array<i32>} : memref<96xi32, #tpu.memory_space<vmem>>, vector<16xi32>,
    %get3A_62 = arith.constant 96 : index
    %get3A_63 = tpu.vector_load %arg6[%get3A_62] {strides = array<i32>} : memref<10000xi32, #tpu.memory_space<vmem>>, vector<16xi32>,
    %get3A_64 = vector.shape_cast %get3A_63 : vector<16xi32> to vector<16xi32>
    %swap3A_65 = arith.constant 0 : index
    %swap3A_66 = tpu.vector_load %arg13[%swap3A_65] {strides = array<i32>} : memref<96xi32, #tpu.memory_space<vmem>>, vector<16xi32>,
    %swap3A_67 = vector.shape_cast %swap3A_66 : vector<16xi32> to vector<16xi32>
    %swap3A_68 = vector.shape_cast %get3A_64 : vector<16xi32> to vector<16xi32>
    tpu.vector_store %arg13[%swap3A_65], %swap3A_68 {strides = array<i32>} : memref<96xi32, #tpu.memory_space<vmem>>, vector<16xi32>,
    %get3A_69 = arith.constant 112 : index
    %get3A_70 = tpu.vector_load %arg6[%get3A_69] {strides = array<i32>} : memref<10000xi32, #tpu.memory_space<vmem>>, vector<16xi32>,
    %get3A_71 = vector.shape_cast %get3A_70 : vector<16xi32> to vector<16xi32>
    %swap3A_72 = arith.constant 16 : index
    %swap3A_73 = tpu.vector_load %arg13[%swap3A_72] {strides = array<i32>} : memref<96xi32, #tpu.memory_space<vmem>>, vector<16xi32>,
    %swap3A_74 = vector.shape_cast %swap3A_73 : vector<16xi32> to vector<16xi32>
    %swap3A_75 = vector.shape_cast %get3A_71 : vector<16xi32> to vector<16xi32>
    tpu.vector_store %arg13[%swap3A_72], %swap3A_75 {strides = array<i32>} : memref<96xi32, #tpu.memory_space<vmem>>, vector<16xi32>,
    %get3A_76 = arith.constant 128 : index
    %get3A_77 = tpu.vector_load %arg6[%get3A_76] {strides = array<i32>} : memref<10000xi32, #tpu.memory_space<vmem>>, vector<16xi32>,
    %get3A_78 = vector.shape_cast %get3A_77 : vector<16xi32> to vector<16xi32>
    %swap3A_79 = arith.constant 32 : index
    %swap3A_80 = tpu.vector_load %arg13[%swap3A_79] {strides = array<i32>} : memref<96xi32, #tpu.memory_space<vmem>>, vector<16xi32>,
    %swap3A_81 = vector.shape_cast %swap3A_80 : vector<16xi32> to vector<16xi32>
    %swap3A_82 = vector.shape_cast %get3A_78 : vector<16xi32> to vector<16xi32>
    tpu.vector_store %arg13[%swap3A_79], %swap3A_82 {strides = array<i32>} : memref<96xi32, #tpu.memory_space<vmem>>, vector<16xi32>,
    %get3A_83 = arith.constant 144 : index
    %get3A_84 = tpu.vector_load %arg6[%get3A_83] {strides = array<i32>} : memref<10000xi32, #tpu.memory_space<vmem>>, vector<16xi32>,
    %get3A_85 = vector.shape_cast %get3A_84 : vector<16xi32> to vector<16xi32>
    %swap3A_86 = arith.constant 48 : index
    %swap3A_87 = tpu.vector_load %arg13[%swap3A_86] {strides = array<i32>} : memref<96xi32, #tpu.memory_space<vmem>>, vector<16xi32>,
    %swap3A_88 = vector.shape_cast %swap3A_87 : vector<16xi32> to vector<16xi32>
    %swap3A_89 = vector.shape_cast %get3A_85 : vector<16xi32> to vector<16xi32>
    tpu.vector_store %arg13[%swap3A_86], %swap3A_89 {strides = array<i32>} : memref<96xi32, #tpu.memory_space<vmem>>, vector<16xi32>,
    %get3A_90 = arith.constant 160 : index
    %get3A_91 = tpu.vector_load %arg6[%get3A_90] {strides = array<i32>} : memref<10000xi32, #tpu.memory_space<vmem>>, vector<16xi32>,
    %get3A_92 = vector.shape_cast %get3A_91 : vector<16xi32> to vector<16xi32>
    %swap3A_93 = arith.constant 64 : index
    %swap3A_94 = tpu.vector_load %arg13[%swap3A_93] {strides = array<i32>} : memref<96xi32, #tpu.memory_space<vmem>>, vector<16xi32>,
    %swap3A_95 = vector.shape_cast %swap3A_94 : vector<16xi32> to vector<16xi32>
    %swap3A_96 = vector.shape_cast %get3A_92 : vector<16xi32> to vector<16xi32>
    tpu.vector_store %arg13[%swap3A_93], %swap3A_96 {strides = array<i32>} : memref<96xi32, #tpu.memory_space<vmem>>, vector<16xi32>,
    %get3A_97 = arith.constant 176 : index
    %get3A_98 = tpu.vector_load %arg6[%get3A_97] {strides = array<i32>} : memref<10000xi32, #tpu.memory_space<vmem>>, vector<16xi32>,
    %get3A_99 = vector.shape_cast %get3A_98 : vector<16xi32> to vector<16xi32>
    %swap3A_100 = arith.constant 80 : index
    %swap3A_101 = tpu.vector_load %arg13[%swap3A_100] {strides = array<i32>} : memref<96xi32, #tpu.memory_space<vmem>>, vector<16xi32>,
    %swap3A_102 = vector.shape_cast %swap3A_101 : vector<16xi32> to vector<16xi32>
    %swap3A_103 = vector.shape_cast %get3A_99 : vector<16xi32> to vector<16xi32>
    tpu.vector_store %arg13[%swap3A_100], %swap3A_103 {strides = array<i32>} : memref<96xi32, #tpu.memory_space<vmem>>, vector<16xi32>,
    %add3A_104 = arith.constant 0 : i32
    %add3A_105 = arith.addi %mul3A_2, %add3A_104 : i32
    %dma_start3A_106 = arith.constant 0 : i32
    %dma_start3A_107 = tpu.memref_slice %arg3[%add3A_105, %dma_start3A_106] : memref<320000x128xf32, #tpu.memory_space<hbm>> -> memref<192x128xf32, #tpu.memory_space<hbm>>
    %dma_start3A_108 = arith.constant 0 : i32
    %dma_start3A_109 = tpu.memref_slice %arg3[%add3A_105, %dma_start3A_108] : memref<320000x128xf32, #tpu.memory_space<hbm>> -> memref<192x128xf32, #tpu.memory_space<hbm>>
    tpu.enqueue_dma source(%dma_start3A_109 : memref<192x128xf32, #tpu.memory_space<hbm>>) target(%arg7 : memref<192x128xf32, #tpu.memory_space<vmem>>) target_semaphore(%arg16 : memref<!tpu.dma_semaphore, #tpu.memory_space<semaphore_mem>>)
    %dma_start3A_110 = arith.constant 0 : i32
    %dma_start3A_111 = arith.constant 0 : i32
    %dma_start3A_112 = tpu.memref_slice %arg9[%dma_start3A_110, %dma_start3A_111] : memref<192x128xf32, #tpu.memory_space<vmem>> -> memref<96x128xf32, #tpu.memory_space<vmem>>
    %dma_start3A_113 = arith.constant 0 : i32
    %dma_start3A_114 = arith.constant 0 : i32
    %dma_start3A_115 = tpu.memref_slice %arg2[%dma_start3A_113, %dma_start3A_114] : memref<10000x128xf32, #tpu.memory_space<hbm>> -> memref<10000x128xf32, #tpu.memory_space<hbm>>
    tpu.enqueue_indirect_dma source(%dma_start3A_115 : memref<10000x128xf32, #tpu.memory_space<hbm>>) target(%dma_start3A_112 : memref<96x128xf32, #tpu.memory_space<vmem>>) offsets(%arg12 : memref<96xi32, #tpu.memory_space<vmem>>) semaphore(%arg17 : memref<!tpu.dma_semaphore, #tpu.memory_space<semaphore_mem>>)
    %dma_start3A_116 = arith.constant 96 : i32
    %dma_start3A_117 = arith.constant 0 : i32
    %dma_start3A_118 = tpu.memref_slice %arg9[%dma_start3A_116, %dma_start3A_117] : memref<192x128xf32, #tpu.memory_space<vmem>> -> memref<96x128xf32, #tpu.memory_space<vmem>>
    %dma_start3A_119 = arith.constant 0 : i32
    %dma_start3A_120 = arith.constant 0 : i32
    %dma_start3A_121 = tpu.memref_slice %arg2[%dma_start3A_119, %dma_start3A_120] : memref<10000x128xf32, #tpu.memory_space<hbm>> -> memref<10000x128xf32, #tpu.memory_space<hbm>>
    tpu.enqueue_indirect_dma source(%dma_start3A_121 : memref<10000x128xf32, #tpu.memory_space<hbm>>) target(%dma_start3A_118 : memref<96x128xf32, #tpu.memory_space<vmem>>) offsets(%arg13 : memref<96xi32, #tpu.memory_space<vmem>>) semaphore(%arg17 : memref<!tpu.dma_semaphore, #tpu.memory_space<semaphore_mem>>)
    %add3A_122 = arith.constant 0 : i32
    %add3A_123 = arith.addi %mul3A_2, %add3A_122 : i32
    %dma_wait3A = arith.constant 0 : i32
    %dma_wait3A_124 = tpu.memref_slice %arg3[%add3A_123, %dma_wait3A] : memref<320000x128xf32, #tpu.memory_space<hbm>> -> memref<192x128xf32, #tpu.memory_space<hbm>>
    %dma_wait3A_125 = arith.constant 0 : i32
    %dma_wait3A_126 = tpu.memref_slice %arg3[%add3A_123, %dma_wait3A_125] : memref<320000x128xf32, #tpu.memory_space<hbm>> -> memref<192x128xf32, #tpu.memory_space<hbm>>
    tpu.wait_dma2 semaphore(%arg16 : memref<!tpu.dma_semaphore, #tpu.memory_space<semaphore_mem>>) src(%dma_wait3A_126 : memref<192x128xf32, #tpu.memory_space<hbm>>) dst(%arg7 : memref<192x128xf32, #tpu.memory_space<vmem>>)
    %dma_wait3A_127 = arith.constant 0 : i32
    %dma_wait3A_128 = arith.constant 0 : i32
    %dma_wait3A_129 = tpu.memref_slice %arg9[%dma_wait3A_127, %dma_wait3A_128] : memref<192x128xf32, #tpu.memory_space<vmem>> -> memref<96x128xf32, #tpu.memory_space<vmem>>
    %dma_wait3A_130 = arith.constant 0 : i32
    %dma_wait3A_131 = arith.constant 0 : i32
    %dma_wait3A_132 = tpu.memref_slice %arg2[%dma_wait3A_130, %dma_wait3A_131] : memref<10000x128xf32, #tpu.memory_space<hbm>> -> memref<10000x128xf32, #tpu.memory_space<hbm>>
    tpu.wait_indirect_dma semaphore(%arg17 : memref<!tpu.dma_semaphore, #tpu.memory_space<semaphore_mem>>) src(%dma_wait3A_132 : memref<10000x128xf32, #tpu.memory_space<hbm>>) dst(%dma_wait3A_129 : memref<96x128xf32, #tpu.memory_space<vmem>>)
    %dma_wait3A_133 = arith.constant 96 : i32
    %dma_wait3A_134 = arith.constant 0 : i32
    %dma_wait3A_135 = tpu.memref_slice %arg9[%dma_wait3A_133, %dma_wait3A_134] : memref<192x128xf32, #tpu.memory_space<vmem>> -> memref<96x128xf32, #tpu.memory_space<vmem>>
    %dma_wait3A_136 = arith.constant 0 : i32
    %dma_wait3A_137 = arith.constant 0 : i32
    %dma_wait3A_138 = tpu.memref_slice %arg2[%dma_wait3A_136, %dma_wait3A_137] : memref<10000x128xf32, #tpu.memory_space<hbm>> -> memref<10000x128xf32, #tpu.memory_space<hbm>>
    tpu.wait_indirect_dma semaphore(%arg17 : memref<!tpu.dma_semaphore, #tpu.memory_space<semaphore_mem>>) src(%dma_wait3A_138 : memref<10000x128xf32, #tpu.memory_space<hbm>>) dst(%dma_wait3A_135 : memref<96x128xf32, #tpu.memory_space<vmem>>)
    %add3A_139 = arith.constant 0 : i32
    %add3A_140 = arith.addi %mul3A_2, %add3A_139 : i32
    %dma_start3A_141 = arith.constant 0 : i32
    %dma_start3A_142 = tpu.memref_slice %arg5[%add3A_140, %dma_start3A_141] : memref<320000x256xf32, #tpu.memory_space<hbm>> -> memref<192x128xf32, #tpu.memory_space<hbm>>
    %dma_start3A_143 = arith.constant 0 : i32
    %dma_start3A_144 = tpu.memref_slice %arg5[%add3A_140, %dma_start3A_143] : memref<320000x256xf32, #tpu.memory_space<hbm>> -> memref<192x128xf32, #tpu.memory_space<hbm>>
    tpu.enqueue_dma source(%arg7 : memref<192x128xf32, #tpu.memory_space<vmem>>) target(%dma_start3A_144 : memref<192x128xf32, #tpu.memory_space<hbm>>) target_semaphore(%arg18 : memref<!tpu.dma_semaphore, #tpu.memory_space<semaphore_mem>>)
    %dma_start3A_145 = arith.constant 128 : i32
    %dma_start3A_146 = tpu.memref_slice %arg5[%add3A_140, %dma_start3A_145] : memref<320000x256xf32, #tpu.memory_space<hbm>> -> memref<192x128xf32, #tpu.memory_space<hbm>>
    %dma_start3A_147 = arith.constant 128 : i32
    %dma_start3A_148 = tpu.memref_slice %arg5[%add3A_140, %dma_start3A_147] : memref<320000x256xf32, #tpu.memory_space<hbm>> -> memref<192x128xf32, #tpu.memory_space<hbm>>
    tpu.enqueue_dma source(%arg9 : memref<192x128xf32, #tpu.memory_space<vmem>>) target(%dma_start3A_148 : memref<192x128xf32, #tpu.memory_space<hbm>>) target_semaphore(%arg18 : memref<!tpu.dma_semaphore, #tpu.memory_space<semaphore_mem>>)
    %get3A_149 = arith.constant 192 : index
    %get3A_150 = tpu.vector_load %arg6[%get3A_149] {strides = array<i32>} : memref<10000xi32, #tpu.memory_space<vmem>>, vector<16xi32>,
    %get3A_151 = vector.shape_cast %get3A_150 : vector<16xi32> to vector<16xi32>
    %swap3A_152 = arith.constant 0 : index
    %swap3A_153 = tpu.vector_load %arg14[%swap3A_152] {strides = array<i32>} : memref<96xi32, #tpu.memory_space<vmem>>, vector<16xi32>,
    %swap3A_154 = vector.shape_cast %swap3A_153 : vector<16xi32> to vector<16xi32>
    %swap3A_155 = vector.shape_cast %get3A_151 : vector<16xi32> to vector<16xi32>
    tpu.vector_store %arg14[%swap3A_152], %swap3A_155 {strides = array<i32>} : memref<96xi32, #tpu.memory_space<vmem>>, vector<16xi32>,
    %get3A_156 = arith.constant 208 : index
    %get3A_157 = tpu.vector_load %arg6[%get3A_156] {strides = array<i32>} : memref<10000xi32, #tpu.memory_space<vmem>>, vector<16xi32>,
    %get3A_158 = vector.shape_cast %get3A_157 : vector<16xi32> to vector<16xi32>
    %swap3A_159 = arith.constant 16 : index
    %swap3A_160 = tpu.vector_load %arg14[%swap3A_159] {strides = array<i32>} : memref<96xi32, #tpu.memory_space<vmem>>, vector<16xi32>,
    %swap3A_161 = vector.shape_cast %swap3A_160 : vector<16xi32> to vector<16xi32>
    %swap3A_162 = vector.shape_cast %get3A_158 : vector<16xi32> to vector<16xi32>
    tpu.vector_store %arg14[%swap3A_159], %swap3A_162 {strides = array<i32>} : memref<96xi32, #tpu.memory_space<vmem>>, vector<16xi32>,
    %get3A_163 = arith.constant 224 : index
    %get3A_164 = tpu.vector_load %arg6[%get3A_163] {strides = array<i32>} : memref<10000xi32, #tpu.memory_space<vmem>>, vector<16xi32>,
    %get3A_165 = vector.shape_cast %get3A_164 : vector<16xi32> to vector<16xi32>
    %swap3A_166 = arith.constant 32 : index
    %swap3A_167 = tpu.vector_load %arg14[%swap3A_166] {strides = array<i32>} : memref<96xi32, #tpu.memory_space<vmem>>, vector<16xi32>,
    %swap3A_168 = vector.shape_cast %swap3A_167 : vector<16xi32> to vector<16xi32>
    %swap3A_169 = vector.shape_cast %get3A_165 : vector<16xi32> to vector<16xi32>
    tpu.vector_store %arg14[%swap3A_166], %swap3A_169 {strides = array<i32>} : memref<96xi32, #tpu.memory_space<vmem>>, vector<16xi32>,
    %get3A_170 = arith.constant 240 : index
    %get3A_171 = tpu.vector_load %arg6[%get3A_170] {strides = array<i32>} : memref<10000xi32, #tpu.memory_space<vmem>>, vector<16xi32>,
    %get3A_172 = vector.shape_cast %get3A_171 : vector<16xi32> to vector<16xi32>
    %swap3A_173 = arith.constant 48 : index
    %swap3A_174 = tpu.vector_load %arg14[%swap3A_173] {strides = array<i32>} : memref<96xi32, #tpu.memory_space<vmem>>, vector<16xi32>,
    %swap3A_175 = vector.shape_cast %swap3A_174 : vector<16xi32> to vector<16xi32>
    %swap3A_176 = vector.shape_cast %get3A_172 : vector<16xi32> to vector<16xi32>
    tpu.vector_store %arg14[%swap3A_173], %swap3A_176 {strides = array<i32>} : memref<96xi32, #tpu.memory_space<vmem>>, vector<16xi32>,
    %get3A_177 = arith.constant 256 : index
    %get3A_178 = tpu.vector_load %arg6[%get3A_177] {strides = array<i32>} : memref<10000xi32, #tpu.memory_space<vmem>>, vector<16xi32>,
    %get3A_179 = vector.shape_cast %get3A_178 : vector<16xi32> to vector<16xi32>
    %swap3A_180 = arith.constant 64 : index
    %swap3A_181 = tpu.vector_load %arg14[%swap3A_180] {strides = array<i32>} : memref<96xi32, #tpu.memory_space<vmem>>, vector<16xi32>,
    %swap3A_182 = vector.shape_cast %swap3A_181 : vector<16xi32> to vector<16xi32>
    %swap3A_183 = vector.shape_cast %get3A_179 : vector<16xi32> to vector<16xi32>
    tpu.vector_store %arg14[%swap3A_180], %swap3A_183 {strides = array<i32>} : memref<96xi32, #tpu.memory_space<vmem>>, vector<16xi32>,
    %get3A_184 = arith.constant 272 : index
    %get3A_185 = tpu.vector_load %arg6[%get3A_184] {strides = array<i32>} : memref<10000xi32, #tpu.memory_space<vmem>>, vector<16xi32>,
    %get3A_186 = vector.shape_cast %get3A_185 : vector<16xi32> to vector<16xi32>
    %swap3A_187 = arith.constant 80 : index
    %swap3A_188 = tpu.vector_load %arg14[%swap3A_187] {strides = array<i32>} : memref<96xi32, #tpu.memory_space<vmem>>, vector<16xi32>,
    %swap3A_189 = vector.shape_cast %swap3A_188 : vector<16xi32> to vector<16xi32>
    %swap3A_190 = vector.shape_cast %get3A_186 : vector<16xi32> to vector<16xi32>
    tpu.vector_store %arg14[%swap3A_187], %swap3A_190 {strides = array<i32>} : memref<96xi32, #tpu.memory_space<vmem>>, vector<16xi32>,
    %get3A_191 = arith.constant 288 : index
    %get3A_192 = tpu.vector_load %arg6[%get3A_191] {strides = array<i32>} : memref<10000xi32, #tpu.memory_space<vmem>>, vector<16xi32>,
    %get3A_193 = vector.shape_cast %get3A_192 : vector<16xi32> to vector<16xi32>
    %swap3A_194 = arith.constant 0 : index
    %swap3A_195 = tpu.vector_load %arg15[%swap3A_194] {strides = array<i32>} : memref<96xi32, #tpu.memory_space<vmem>>, vector<16xi32>,
    %swap3A_196 = vector.shape_cast %swap3A_195 : vector<16xi32> to vector<16xi32>
    %swap3A_197 = vector.shape_cast %get3A_193 : vector<16xi32> to vector<16xi32>
    tpu.vector_store %arg15[%swap3A_194], %swap3A_197 {strides = array<i32>} : memref<96xi32, #tpu.memory_space<vmem>>, vector<16xi32>,
    %get3A_198 = arith.constant 304 : index
    %get3A_199 = tpu.vector_load %arg6[%get3A_198] {strides = array<i32>} : memref<10000xi32, #tpu.memory_space<vmem>>, vector<16xi32>,
    %get3A_200 = vector.shape_cast %get3A_199 : vector<16xi32> to vector<16xi32>
    %swap3A_201 = arith.constant 16 : index
    %swap3A_202 = tpu.vector_load %arg15[%swap3A_201] {strides = array<i32>} : memref<96xi32, #tpu.memory_space<vmem>>, vector<16xi32>,
    %swap3A_203 = vector.shape_cast %swap3A_202 : vector<16xi32> to vector<16xi32>
    %swap3A_204 = vector.shape_cast %get3A_200 : vector<16xi32> to vector<16xi32>
    tpu.vector_store %arg15[%swap3A_201], %swap3A_204 {strides = array<i32>} : memref<96xi32, #tpu.memory_space<vmem>>, vector<16xi32>,
    %get3A_205 = arith.constant 320 : index
    %get3A_206 = tpu.vector_load %arg6[%get3A_205] {strides = array<i32>} : memref<10000xi32, #tpu.memory_space<vmem>>, vector<16xi32>,
    %get3A_207 = vector.shape_cast %get3A_206 : vector<16xi32> to vector<16xi32>
    %swap3A_208 = arith.constant 32 : index
    %swap3A_209 = tpu.vector_load %arg15[%swap3A_208] {strides = array<i32>} : memref<96xi32, #tpu.memory_space<vmem>>, vector<16xi32>,
    %swap3A_210 = vector.shape_cast %swap3A_209 : vector<16xi32> to vector<16xi32>
    %swap3A_211 = vector.shape_cast %get3A_207 : vector<16xi32> to vector<16xi32>
    tpu.vector_store %arg15[%swap3A_208], %swap3A_211 {strides = array<i32>} : memref<96xi32, #tpu.memory_space<vmem>>, vector<16xi32>,
    %get3A_212 = arith.constant 336 : index
    %get3A_213 = tpu.vector_load %arg6[%get3A_212] {strides = array<i32>} : memref<10000xi32, #tpu.memory_space<vmem>>, vector<16xi32>,
    %get3A_214 = vector.shape_cast %get3A_213 : vector<16xi32> to vector<16xi32>
    %swap3A_215 = arith.constant 48 : index
    %swap3A_216 = tpu.vector_load %arg15[%swap3A_215] {strides = array<i32>} : memref<96xi32, #tpu.memory_space<vmem>>, vector<16xi32>,
    %swap3A_217 = vector.shape_cast %swap3A_216 : vector<16xi32> to vector<16xi32>
    %swap3A_218 = vector.shape_cast %get3A_214 : vector<16xi32> to vector<16xi32>
    tpu.vector_store %arg15[%swap3A_215], %swap3A_218 {strides = array<i32>} : memref<96xi32, #tpu.memory_space<vmem>>, vector<16xi32>,
    %get3A_219 = arith.constant 352 : index
    %get3A_220 = tpu.vector_load %arg6[%get3A_219] {strides = array<i32>} : memref<10000xi32, #tpu.memory_space<vmem>>, vector<16xi32>,
    %get3A_221 = vector.shape_cast %get3A_220 : vector<16xi32> to vector<16xi32>
    %swap3A_222 = arith.constant 64 : index
    %swap3A_223 = tpu.vector_load %arg15[%swap3A_222] {strides = array<i32>} : memref<96xi32, #tpu.memory_space<vmem>>, vector<16xi32>,
    %swap3A_224 = vector.shape_cast %swap3A_223 : vector<16xi32> to vector<16xi32>
    %swap3A_225 = vector.shape_cast %get3A_221 : vector<16xi32> to vector<16xi32>
    tpu.vector_store %arg15[%swap3A_222], %swap3A_225 {strides = array<i32>} : memref<96xi32, #tpu.memory_space<vmem>>, vector<16xi32>,
    %get3A_226 = arith.constant 368 : index
    %get3A_227 = tpu.vector_load %arg6[%get3A_226] {strides = array<i32>} : memref<10000xi32, #tpu.memory_space<vmem>>, vector<16xi32>,
    %get3A_228 = vector.shape_cast %get3A_227 : vector<16xi32> to vector<16xi32>
    %swap3A_229 = arith.constant 80 : index
    %swap3A_230 = tpu.vector_load %arg15[%swap3A_229] {strides = array<i32>} : memref<96xi32, #tpu.memory_space<vmem>>, vector<16xi32>,
    %swap3A_231 = vector.shape_cast %swap3A_230 : vector<16xi32> to vector<16xi32>
    %swap3A_232 = vector.shape_cast %get3A_228 : vector<16xi32> to vector<16xi32>
    tpu.vector_store %arg15[%swap3A_229], %swap3A_232 {strides = array<i32>} : memref<96xi32, #tpu.memory_space<vmem>>, vector<16xi32>,
    %add3A_233 = arith.constant 192 : i32
    %add3A_234 = arith.addi %mul3A_2, %add3A_233 : i32
    %dma_start3A_235 = arith.constant 0 : i32
    %dma_start3A_236 = tpu.memref_slice %arg3[%add3A_234, %dma_start3A_235] : memref<320000x128xf32, #tpu.memory_space<hbm>> -> memref<192x128xf32, #tpu.memory_space<hbm>>
    %dma_start3A_237 = arith.constant 0 : i32
    %dma_start3A_238 = tpu.memref_slice %arg3[%add3A_234, %dma_start3A_237] : memref<320000x128xf32, #tpu.memory_space<hbm>> -> memref<192x128xf32, #tpu.memory_space<hbm>>
    tpu.enqueue_dma source(%dma_start3A_238 : memref<192x128xf32, #tpu.memory_space<hbm>>) target(%arg8 : memref<192x128xf32, #tpu.memory_space<vmem>>) target_semaphore(%arg19 : memref<!tpu.dma_semaphore, #tpu.memory_space<semaphore_mem>>)
    %dma_start3A_239 = arith.constant 0 : i32
    %dma_start3A_240 = arith.constant 0 : i32
    %dma_start3A_241 = tpu.memref_slice %arg10[%dma_start3A_239, %dma_start3A_240] : memref<192x128xf32, #tpu.memory_space<vmem>> -> memref<96x128xf32, #tpu.memory_space<vmem>>
    %dma_start3A_242 = arith.constant 0 : i32
    %dma_start3A_243 = arith.constant 0 : i32
    %dma_start3A_244 = tpu.memref_slice %arg2[%dma_start3A_242, %dma_start3A_243] : memref<10000x128xf32, #tpu.memory_space<hbm>> -> memref<10000x128xf32, #tpu.memory_space<hbm>>
    tpu.enqueue_indirect_dma source(%dma_start3A_244 : memref<10000x128xf32, #tpu.memory_space<hbm>>) target(%dma_start3A_241 : memref<96x128xf32, #tpu.memory_space<vmem>>) offsets(%arg14 : memref<96xi32, #tpu.memory_space<vmem>>) semaphore(%arg20 : memref<!tpu.dma_semaphore, #tpu.memory_space<semaphore_mem>>)
    %dma_start3A_245 = arith.constant 96 : i32
    %dma_start3A_246 = arith.constant 0 : i32
    %dma_start3A_247 = tpu.memref_slice %arg10[%dma_start3A_245, %dma_start3A_246] : memref<192x128xf32, #tpu.memory_space<vmem>> -> memref<96x128xf32, #tpu.memory_space<vmem>>
    %dma_start3A_248 = arith.constant 0 : i32
    %dma_start3A_249 = arith.constant 0 : i32
    %dma_start3A_250 = tpu.memref_slice %arg2[%dma_start3A_248, %dma_start3A_249] : memref<10000x128xf32, #tpu.memory_space<hbm>> -> memref<10000x128xf32, #tpu.memory_space<hbm>>
    tpu.enqueue_indirect_dma source(%dma_start3A_250 : memref<10000x128xf32, #tpu.memory_space<hbm>>) target(%dma_start3A_247 : memref<96x128xf32, #tpu.memory_space<vmem>>) offsets(%arg15 : memref<96xi32, #tpu.memory_space<vmem>>) semaphore(%arg20 : memref<!tpu.dma_semaphore, #tpu.memory_space<semaphore_mem>>)
    %scan3A = arith.constant 0 : i32
    %scan3A_251 = arith.constant 0 : i32
    %scan3A_252 = arith.constant 25 : i32
    %scan3A_253 = arith.addi %scan3A_251, %scan3A_252 : i32
    %scan3A_254 = arith.constant 1 : i32
    %scan3A_255 = scf.for %scan3A_323 = %scan3A_251 to %scan3A_253 step %scan3A_254 iter_args(%scan3A_324 = %scan3A) -> (i32)  : i32 {
      %mul3A_325 = arith.constant 2 : i32
      %mul3A_326 = arith.muli %mul3A_325, %scan3A_323 : i32
      %add3A_327 = arith.constant 1 : i32
      %add3A_328 = arith.addi %mul3A_326, %add3A_327 : i32
      %mul3A_329 = arith.constant 192 : i32
      %mul3A_330 = arith.muli %add3A_328, %mul3A_329 : i32
      %add3A_331 = arith.addi %mul3A_2, %mul3A_330 : i32
      %dma_wait3A_332 = arith.constant 0 : i32
      %dma_wait3A_333 = tpu.memref_slice %arg3[%add3A_331, %dma_wait3A_332] : memref<320000x128xf32, #tpu.memory_space<hbm>> -> memref<192x128xf32, #tpu.memory_space<hbm>>
      %dma_wait3A_334 = arith.constant 0 : i32
      %dma_wait3A_335 = tpu.memref_slice %arg3[%add3A_331, %dma_wait3A_334] : memref<320000x128xf32, #tpu.memory_space<hbm>> -> memref<192x128xf32, #tpu.memory_space<hbm>>
      tpu.wait_dma2 semaphore(%arg19 : memref<!tpu.dma_semaphore, #tpu.memory_space<semaphore_mem>>) src(%dma_wait3A_335 : memref<192x128xf32, #tpu.memory_space<hbm>>) dst(%arg8 : memref<192x128xf32, #tpu.memory_space<vmem>>)
      %dma_wait3A_336 = arith.constant 0 : i32
      %dma_wait3A_337 = arith.constant 0 : i32
      %dma_wait3A_338 = tpu.memref_slice %arg10[%dma_wait3A_336, %dma_wait3A_337] : memref<192x128xf32, #tpu.memory_space<vmem>> -> memref<96x128xf32, #tpu.memory_space<vmem>>
      %dma_wait3A_339 = arith.constant 0 : i32
      %dma_wait3A_340 = arith.constant 0 : i32
      %dma_wait3A_341 = tpu.memref_slice %arg2[%dma_wait3A_339, %dma_wait3A_340] : memref<10000x128xf32, #tpu.memory_space<hbm>> -> memref<10000x128xf32, #tpu.memory_space<hbm>>
      tpu.wait_indirect_dma semaphore(%arg20 : memref<!tpu.dma_semaphore, #tpu.memory_space<semaphore_mem>>) src(%dma_wait3A_341 : memref<10000x128xf32, #tpu.memory_space<hbm>>) dst(%dma_wait3A_338 : memref<96x128xf32, #tpu.memory_space<vmem>>)
      %dma_wait3A_342 = arith.constant 96 : i32
      %dma_wait3A_343 = arith.constant 0 : i32
      %dma_wait3A_344 = tpu.memref_slice %arg10[%dma_wait3A_342, %dma_wait3A_343] : memref<192x128xf32, #tpu.memory_space<vmem>> -> memref<96x128xf32, #tpu.memory_space<vmem>>
      %dma_wait3A_345 = arith.constant 0 : i32
      %dma_wait3A_346 = arith.constant 0 : i32
      %dma_wait3A_347 = tpu.memref_slice %arg2[%dma_wait3A_345, %dma_wait3A_346] : memref<10000x128xf32, #tpu.memory_space<hbm>> -> memref<10000x128xf32, #tpu.memory_space<hbm>>
      tpu.wait_indirect_dma semaphore(%arg20 : memref<!tpu.dma_semaphore, #tpu.memory_space<semaphore_mem>>) src(%dma_wait3A_347 : memref<10000x128xf32, #tpu.memory_space<hbm>>) dst(%dma_wait3A_344 : memref<96x128xf32, #tpu.memory_space<vmem>>)
      %mul3A_348 = arith.constant 192 : i32
      %mul3A_349 = arith.muli %add3A_328, %mul3A_348 : i32
      %add3A_350 = arith.addi %mul3A_2, %mul3A_349 : i32
      %dma_start3A_351 = arith.constant 0 : i32
      %dma_start3A_352 = tpu.memref_slice %arg5[%add3A_350, %dma_start3A_351] : memref<320000x256xf32, #tpu.memory_space<hbm>> -> memref<192x128xf32, #tpu.memory_space<hbm>>
      %dma_start3A_353 = arith.constant 0 : i32
      %dma_start3A_354 = tpu.memref_slice %arg5[%add3A_350, %dma_start3A_353] : memref<320000x256xf32, #tpu.memory_space<hbm>> -> memref<192x128xf32, #tpu.memory_space<hbm>>
      tpu.enqueue_dma source(%arg8 : memref<192x128xf32, #tpu.memory_space<vmem>>) target(%dma_start3A_354 : memref<192x128xf32, #tpu.memory_space<hbm>>) target_semaphore(%arg21 : memref<!tpu.dma_semaphore, #tpu.memory_space<semaphore_mem>>)
      %dma_start3A_355 = arith.constant 128 : i32
      %dma_start3A_356 = tpu.memref_slice %arg5[%add3A_350, %dma_start3A_355] : memref<320000x256xf32, #tpu.memory_space<hbm>> -> memref<192x128xf32, #tpu.memory_space<hbm>>
      %dma_start3A_357 = arith.constant 128 : i32
      %dma_start3A_358 = tpu.memref_slice %arg5[%add3A_350, %dma_start3A_357] : memref<320000x256xf32, #tpu.memory_space<hbm>> -> memref<192x128xf32, #tpu.memory_space<hbm>>
      tpu.enqueue_dma source(%arg10 : memref<192x128xf32, #tpu.memory_space<vmem>>) target(%dma_start3A_358 : memref<192x128xf32, #tpu.memory_space<hbm>>) target_semaphore(%arg21 : memref<!tpu.dma_semaphore, #tpu.memory_space<semaphore_mem>>)
      %sub3A = arith.constant 1 : i32
      %sub3A_359 = arith.subi %add3A_328, %sub3A : i32
      %mul3A_360 = arith.constant 192 : i32
      %mul3A_361 = arith.muli %sub3A_359, %mul3A_360 : i32
      %add3A_362 = arith.addi %mul3A_2, %mul3A_361 : i32
      %dma_wait3A_363 = arith.constant 0 : i32
      %dma_wait3A_364 = tpu.memref_slice %arg5[%add3A_362, %dma_wait3A_363] : memref<320000x256xf32, #tpu.memory_space<hbm>> -> memref<192x128xf32, #tpu.memory_space<hbm>>
      %dma_wait3A_365 = arith.constant 0 : i32
      %dma_wait3A_366 = tpu.memref_slice %arg5[%add3A_362, %dma_wait3A_365] : memref<320000x256xf32, #tpu.memory_space<hbm>> -> memref<192x128xf32, #tpu.memory_space<hbm>>
      tpu.wait_dma2 semaphore(%arg18 : memref<!tpu.dma_semaphore, #tpu.memory_space<semaphore_mem>>) src(%arg7 : memref<192x128xf32, #tpu.memory_space<vmem>>) dst(%dma_wait3A_366 : memref<192x128xf32, #tpu.memory_space<hbm>>)
      %dma_wait3A_367 = arith.constant 128 : i32
      %dma_wait3A_368 = tpu.memref_slice %arg5[%add3A_362, %dma_wait3A_367] : memref<320000x256xf32, #tpu.memory_space<hbm>> -> memref<192x128xf32, #tpu.memory_space<hbm>>
      %dma_wait3A_369 = arith.constant 128 : i32
      %dma_wait3A_370 = tpu.memref_slice %arg5[%add3A_362, %dma_wait3A_369] : memref<320000x256xf32, #tpu.memory_space<hbm>> -> memref<192x128xf32, #tpu.memory_space<hbm>>
      tpu.wait_dma2 semaphore(%arg18 : memref<!tpu.dma_semaphore, #tpu.memory_space<semaphore_mem>>) src(%arg9 : memref<192x128xf32, #tpu.memory_space<vmem>>) dst(%dma_wait3A_370 : memref<192x128xf32, #tpu.memory_space<hbm>>)
      %add3A_371 = arith.constant 1 : i32
      %add3A_372 = arith.addi %add3A_328, %add3A_371 : i32
      %mul3A_373 = arith.constant 192 : i32
      %mul3A_374 = arith.muli %add3A_372, %mul3A_373 : i32
      %add3A_375 = arith.constant 0 : i32
      %add3A_376 = arith.addi %mul3A_374, %add3A_375 : i32
      %get3A_377 = arith.index_cast %add3A_376 : i32 to index
      %get3A_378 = tpu.vector_load %arg6[%get3A_377] {strides = array<i32>} : memref<10000xi32, #tpu.memory_space<vmem>>, vector<16xi32>,
      %get3A_379 = vector.shape_cast %get3A_378 : vector<16xi32> to vector<16xi32>
      %swap3A_380 = arith.constant 0 : index
      %swap3A_381 = tpu.vector_load %arg12[%swap3A_380] {strides = array<i32>} : memref<96xi32, #tpu.memory_space<vmem>>, vector<16xi32>,
      %swap3A_382 = vector.shape_cast %swap3A_381 : vector<16xi32> to vector<16xi32>
      %swap3A_383 = vector.shape_cast %get3A_379 : vector<16xi32> to vector<16xi32>
      tpu.vector_store %arg12[%swap3A_380], %swap3A_383 {strides = array<i32>} : memref<96xi32, #tpu.memory_space<vmem>>, vector<16xi32>,
      %mul3A_384 = arith.constant 192 : i32
      %mul3A_385 = arith.muli %add3A_372, %mul3A_384 : i32
      %add3A_386 = arith.constant 16 : i32
      %add3A_387 = arith.addi %mul3A_385, %add3A_386 : i32
      %get3A_388 = arith.index_cast %add3A_387 : i32 to index
      %get3A_389 = tpu.vector_load %arg6[%get3A_388] {strides = array<i32>} : memref<10000xi32, #tpu.memory_space<vmem>>, vector<16xi32>,
      %get3A_390 = vector.shape_cast %get3A_389 : vector<16xi32> to vector<16xi32>
      %swap3A_391 = arith.constant 16 : index
      %swap3A_392 = tpu.vector_load %arg12[%swap3A_391] {strides = array<i32>} : memref<96xi32, #tpu.memory_space<vmem>>, vector<16xi32>,
      %swap3A_393 = vector.shape_cast %swap3A_392 : vector<16xi32> to vector<16xi32>
      %swap3A_394 = vector.shape_cast %get3A_390 : vector<16xi32> to vector<16xi32>
      tpu.vector_store %arg12[%swap3A_391], %swap3A_394 {strides = array<i32>} : memref<96xi32, #tpu.memory_space<vmem>>, vector<16xi32>,
      %mul3A_395 = arith.constant 192 : i32
      %mul3A_396 = arith.muli %add3A_372, %mul3A_395 : i32
      %add3A_397 = arith.constant 32 : i32
      %add3A_398 = arith.addi %mul3A_396, %add3A_397 : i32
      %get3A_399 = arith.index_cast %add3A_398 : i32 to index
      %get3A_400 = tpu.vector_load %arg6[%get3A_399] {strides = array<i32>} : memref<10000xi32, #tpu.memory_space<vmem>>, vector<16xi32>,
      %get3A_401 = vector.shape_cast %get3A_400 : vector<16xi32> to vector<16xi32>
      %swap3A_402 = arith.constant 32 : index
      %swap3A_403 = tpu.vector_load %arg12[%swap3A_402] {strides = array<i32>} : memref<96xi32, #tpu.memory_space<vmem>>, vector<16xi32>,
      %swap3A_404 = vector.shape_cast %swap3A_403 : vector<16xi32> to vector<16xi32>
      %swap3A_405 = vector.shape_cast %get3A_401 : vector<16xi32> to vector<16xi32>
      tpu.vector_store %arg12[%swap3A_402], %swap3A_405 {strides = array<i32>} : memref<96xi32, #tpu.memory_space<vmem>>, vector<16xi32>,
      %mul3A_406 = arith.constant 192 : i32
      %mul3A_407 = arith.muli %add3A_372, %mul3A_406 : i32
      %add3A_408 = arith.constant 48 : i32
      %add3A_409 = arith.addi %mul3A_407, %add3A_408 : i32
      %get3A_410 = arith.index_cast %add3A_409 : i32 to index
      %get3A_411 = tpu.vector_load %arg6[%get3A_410] {strides = array<i32>} : memref<10000xi32, #tpu.memory_space<vmem>>, vector<16xi32>,
      %get3A_412 = vector.shape_cast %get3A_411 : vector<16xi32> to vector<16xi32>
      %swap3A_413 = arith.constant 48 : index
      %swap3A_414 = tpu.vector_load %arg12[%swap3A_413] {strides = array<i32>} : memref<96xi32, #tpu.memory_space<vmem>>, vector<16xi32>,
      %swap3A_415 = vector.shape_cast %swap3A_414 : vector<16xi32> to vector<16xi32>
      %swap3A_416 = vector.shape_cast %get3A_412 : vector<16xi32> to vector<16xi32>
      tpu.vector_store %arg12[%swap3A_413], %swap3A_416 {strides = array<i32>} : memref<96xi32, #tpu.memory_space<vmem>>, vector<16xi32>,
      %mul3A_417 = arith.constant 192 : i32
      %mul3A_418 = arith.muli %add3A_372, %mul3A_417 : i32
      %add3A_419 = arith.constant 64 : i32
      %add3A_420 = arith.addi %mul3A_418, %add3A_419 : i32
      %get3A_421 = arith.index_cast %add3A_420 : i32 to index
      %get3A_422 = tpu.vector_load %arg6[%get3A_421] {strides = array<i32>} : memref<10000xi32, #tpu.memory_space<vmem>>, vector<16xi32>,
      %get3A_423 = vector.shape_cast %get3A_422 : vector<16xi32> to vector<16xi32>
      %swap3A_424 = arith.constant 64 : index
      %swap3A_425 = tpu.vector_load %arg12[%swap3A_424] {strides = array<i32>} : memref<96xi32, #tpu.memory_space<vmem>>, vector<16xi32>,
      %swap3A_426 = vector.shape_cast %swap3A_425 : vector<16xi32> to vector<16xi32>
      %swap3A_427 = vector.shape_cast %get3A_423 : vector<16xi32> to vector<16xi32>
      tpu.vector_store %arg12[%swap3A_424], %swap3A_427 {strides = array<i32>} : memref<96xi32, #tpu.memory_space<vmem>>, vector<16xi32>,
      %mul3A_428 = arith.constant 192 : i32
      %mul3A_429 = arith.muli %add3A_372, %mul3A_428 : i32
      %add3A_430 = arith.constant 80 : i32
      %add3A_431 = arith.addi %mul3A_429, %add3A_430 : i32
      %get3A_432 = arith.index_cast %add3A_431 : i32 to index
      %get3A_433 = tpu.vector_load %arg6[%get3A_432] {strides = array<i32>} : memref<10000xi32, #tpu.memory_space<vmem>>, vector<16xi32>,
      %get3A_434 = vector.shape_cast %get3A_433 : vector<16xi32> to vector<16xi32>
      %swap3A_435 = arith.constant 80 : index
      %swap3A_436 = tpu.vector_load %arg12[%swap3A_435] {strides = array<i32>} : memref<96xi32, #tpu.memory_space<vmem>>, vector<16xi32>,
      %swap3A_437 = vector.shape_cast %swap3A_436 : vector<16xi32> to vector<16xi32>
      %swap3A_438 = vector.shape_cast %get3A_434 : vector<16xi32> to vector<16xi32>
      tpu.vector_store %arg12[%swap3A_435], %swap3A_438 {strides = array<i32>} : memref<96xi32, #tpu.memory_space<vmem>>, vector<16xi32>,
      %mul3A_439 = arith.constant 192 : i32
      %mul3A_440 = arith.muli %add3A_372, %mul3A_439 : i32
      %add3A_441 = arith.constant 96 : i32
      %add3A_442 = arith.addi %mul3A_440, %add3A_441 : i32
      %add3A_443 = arith.constant 0 : i32
      %add3A_444 = arith.addi %add3A_442, %add3A_443 : i32
      %get3A_445 = arith.index_cast %add3A_444 : i32 to index
      %get3A_446 = tpu.vector_load %arg6[%get3A_445] {strides = array<i32>} : memref<10000xi32, #tpu.memory_space<vmem>>, vector<16xi32>,
      %get3A_447 = vector.shape_cast %get3A_446 : vector<16xi32> to vector<16xi32>
      %swap3A_448 = arith.constant 0 : index
      %swap3A_449 = tpu.vector_load %arg13[%swap3A_448] {strides = array<i32>} : memref<96xi32, #tpu.memory_space<vmem>>, vector<16xi32>,
      %swap3A_450 = vector.shape_cast %swap3A_449 : vector<16xi32> to vector<16xi32>
      %swap3A_451 = vector.shape_cast %get3A_447 : vector<16xi32> to vector<16xi32>
      tpu.vector_store %arg13[%swap3A_448], %swap3A_451 {strides = array<i32>} : memref<96xi32, #tpu.memory_space<vmem>>, vector<16xi32>,
      %mul3A_452 = arith.constant 192 : i32
      %mul3A_453 = arith.muli %add3A_372, %mul3A_452 : i32
      %add3A_454 = arith.constant 96 : i32
      %add3A_455 = arith.addi %mul3A_453, %add3A_454 : i32
      %add3A_456 = arith.constant 16 : i32
      %add3A_457 = arith.addi %add3A_455, %add3A_456 : i32
      %get3A_458 = arith.index_cast %add3A_457 : i32 to index
      %get3A_459 = tpu.vector_load %arg6[%get3A_458] {strides = array<i32>} : memref<10000xi32, #tpu.memory_space<vmem>>, vector<16xi32>,
      %get3A_460 = vector.shape_cast %get3A_459 : vector<16xi32> to vector<16xi32>
      %swap3A_461 = arith.constant 16 : index
      %swap3A_462 = tpu.vector_load %arg13[%swap3A_461] {strides = array<i32>} : memref<96xi32, #tpu.memory_space<vmem>>, vector<16xi32>,
      %swap3A_463 = vector.shape_cast %swap3A_462 : vector<16xi32> to vector<16xi32>
      %swap3A_464 = vector.shape_cast %get3A_460 : vector<16xi32> to vector<16xi32>
      tpu.vector_store %arg13[%swap3A_461], %swap3A_464 {strides = array<i32>} : memref<96xi32, #tpu.memory_space<vmem>>, vector<16xi32>,
      %mul3A_465 = arith.constant 192 : i32
      %mul3A_466 = arith.muli %add3A_372, %mul3A_465 : i32
      %add3A_467 = arith.constant 96 : i32
      %add3A_468 = arith.addi %mul3A_466, %add3A_467 : i32
      %add3A_469 = arith.constant 32 : i32
      %add3A_470 = arith.addi %add3A_468, %add3A_469 : i32
      %get3A_471 = arith.index_cast %add3A_470 : i32 to index
      %get3A_472 = tpu.vector_load %arg6[%get3A_471] {strides = array<i32>} : memref<10000xi32, #tpu.memory_space<vmem>>, vector<16xi32>,
      %get3A_473 = vector.shape_cast %get3A_472 : vector<16xi32> to vector<16xi32>
      %swap3A_474 = arith.constant 32 : index
      %swap3A_475 = tpu.vector_load %arg13[%swap3A_474] {strides = array<i32>} : memref<96xi32, #tpu.memory_space<vmem>>, vector<16xi32>,
      %swap3A_476 = vector.shape_cast %swap3A_475 : vector<16xi32> to vector<16xi32>
      %swap3A_477 = vector.shape_cast %get3A_473 : vector<16xi32> to vector<16xi32>
      tpu.vector_store %arg13[%swap3A_474], %swap3A_477 {strides = array<i32>} : memref<96xi32, #tpu.memory_space<vmem>>, vector<16xi32>,
      %mul3A_478 = arith.constant 192 : i32
      %mul3A_479 = arith.muli %add3A_372, %mul3A_478 : i32
      %add3A_480 = arith.constant 96 : i32
      %add3A_481 = arith.addi %mul3A_479, %add3A_480 : i32
      %add3A_482 = arith.constant 48 : i32
      %add3A_483 = arith.addi %add3A_481, %add3A_482 : i32
      %get3A_484 = arith.index_cast %add3A_483 : i32 to index
      %get3A_485 = tpu.vector_load %arg6[%get3A_484] {strides = array<i32>} : memref<10000xi32, #tpu.memory_space<vmem>>, vector<16xi32>,
      %get3A_486 = vector.shape_cast %get3A_485 : vector<16xi32> to vector<16xi32>
      %swap3A_487 = arith.constant 48 : index
      %swap3A_488 = tpu.vector_load %arg13[%swap3A_487] {strides = array<i32>} : memref<96xi32, #tpu.memory_space<vmem>>, vector<16xi32>,
      %swap3A_489 = vector.shape_cast %swap3A_488 : vector<16xi32> to vector<16xi32>
      %swap3A_490 = vector.shape_cast %get3A_486 : vector<16xi32> to vector<16xi32>
      tpu.vector_store %arg13[%swap3A_487], %swap3A_490 {strides = array<i32>} : memref<96xi32, #tpu.memory_space<vmem>>, vector<16xi32>,
      %mul3A_491 = arith.constant 192 : i32
      %mul3A_492 = arith.muli %add3A_372, %mul3A_491 : i32
      %add3A_493 = arith.constant 96 : i32
      %add3A_494 = arith.addi %mul3A_492, %add3A_493 : i32
      %add3A_495 = arith.constant 64 : i32
      %add3A_496 = arith.addi %add3A_494, %add3A_495 : i32
      %get3A_497 = arith.index_cast %add3A_496 : i32 to index
      %get3A_498 = tpu.vector_load %arg6[%get3A_497] {strides = array<i32>} : memref<10000xi32, #tpu.memory_space<vmem>>, vector<16xi32>,
      %get3A_499 = vector.shape_cast %get3A_498 : vector<16xi32> to vector<16xi32>
      %swap3A_500 = arith.constant 64 : index
      %swap3A_501 = tpu.vector_load %arg13[%swap3A_500] {strides = array<i32>} : memref<96xi32, #tpu.memory_space<vmem>>, vector<16xi32>,
      %swap3A_502 = vector.shape_cast %swap3A_501 : vector<16xi32> to vector<16xi32>
      %swap3A_503 = vector.shape_cast %get3A_499 : vector<16xi32> to vector<16xi32>
      tpu.vector_store %arg13[%swap3A_500], %swap3A_503 {strides = array<i32>} : memref<96xi32, #tpu.memory_space<vmem>>, vector<16xi32>,
      %mul3A_504 = arith.constant 192 : i32
      %mul3A_505 = arith.muli %add3A_372, %mul3A_504 : i32
      %add3A_506 = arith.constant 96 : i32
      %add3A_507 = arith.addi %mul3A_505, %add3A_506 : i32
      %add3A_508 = arith.constant 80 : i32
      %add3A_509 = arith.addi %add3A_507, %add3A_508 : i32
      %get3A_510 = arith.index_cast %add3A_509 : i32 to index
      %get3A_511 = tpu.vector_load %arg6[%get3A_510] {strides = array<i32>} : memref<10000xi32, #tpu.memory_space<vmem>>, vector<16xi32>,
      %get3A_512 = vector.shape_cast %get3A_511 : vector<16xi32> to vector<16xi32>
      %swap3A_513 = arith.constant 80 : index
      %swap3A_514 = tpu.vector_load %arg13[%swap3A_513] {strides = array<i32>} : memref<96xi32, #tpu.memory_space<vmem>>, vector<16xi32>,
      %swap3A_515 = vector.shape_cast %swap3A_514 : vector<16xi32> to vector<16xi32>
      %swap3A_516 = vector.shape_cast %get3A_512 : vector<16xi32> to vector<16xi32>
      tpu.vector_store %arg13[%swap3A_513], %swap3A_516 {strides = array<i32>} : memref<96xi32, #tpu.memory_space<vmem>>, vector<16xi32>,
      %mul3A_517 = arith.constant 192 : i32
      %mul3A_518 = arith.muli %add3A_372, %mul3A_517 : i32
      %add3A_519 = arith.addi %mul3A_2, %mul3A_518 : i32
      %dma_start3A_520 = arith.constant 0 : i32
      %dma_start3A_521 = tpu.memref_slice %arg3[%add3A_519, %dma_start3A_520] : memref<320000x128xf32, #tpu.memory_space<hbm>> -> memref<192x128xf32, #tpu.memory_space<hbm>>
      %dma_start3A_522 = arith.constant 0 : i32
      %dma_start3A_523 = tpu.memref_slice %arg3[%add3A_519, %dma_start3A_522] : memref<320000x128xf32, #tpu.memory_space<hbm>> -> memref<192x128xf32, #tpu.memory_space<hbm>>
      tpu.enqueue_dma source(%dma_start3A_523 : memref<192x128xf32, #tpu.memory_space<hbm>>) target(%arg7 : memref<192x128xf32, #tpu.memory_space<vmem>>) target_semaphore(%arg16 : memref<!tpu.dma_semaphore, #tpu.memory_space<semaphore_mem>>)
      %dma_start3A_524 = arith.constant 0 : i32
      %dma_start3A_525 = arith.constant 0 : i32
      %dma_start3A_526 = tpu.memref_slice %arg9[%dma_start3A_524, %dma_start3A_525] : memref<192x128xf32, #tpu.memory_space<vmem>> -> memref<96x128xf32, #tpu.memory_space<vmem>>
      %dma_start3A_527 = arith.constant 0 : i32
      %dma_start3A_528 = arith.constant 0 : i32
      %dma_start3A_529 = tpu.memref_slice %arg2[%dma_start3A_527, %dma_start3A_528] : memref<10000x128xf32, #tpu.memory_space<hbm>> -> memref<10000x128xf32, #tpu.memory_space<hbm>>
      tpu.enqueue_indirect_dma source(%dma_start3A_529 : memref<10000x128xf32, #tpu.memory_space<hbm>>) target(%dma_start3A_526 : memref<96x128xf32, #tpu.memory_space<vmem>>) offsets(%arg12 : memref<96xi32, #tpu.memory_space<vmem>>) semaphore(%arg17 : memref<!tpu.dma_semaphore, #tpu.memory_space<semaphore_mem>>)
      %dma_start3A_530 = arith.constant 96 : i32
      %dma_start3A_531 = arith.constant 0 : i32
      %dma_start3A_532 = tpu.memref_slice %arg9[%dma_start3A_530, %dma_start3A_531] : memref<192x128xf32, #tpu.memory_space<vmem>> -> memref<96x128xf32, #tpu.memory_space<vmem>>
      %dma_start3A_533 = arith.constant 0 : i32
      %dma_start3A_534 = arith.constant 0 : i32
      %dma_start3A_535 = tpu.memref_slice %arg2[%dma_start3A_533, %dma_start3A_534] : memref<10000x128xf32, #tpu.memory_space<hbm>> -> memref<10000x128xf32, #tpu.memory_space<hbm>>
      tpu.enqueue_indirect_dma source(%dma_start3A_535 : memref<10000x128xf32, #tpu.memory_space<hbm>>) target(%dma_start3A_532 : memref<96x128xf32, #tpu.memory_space<vmem>>) offsets(%arg13 : memref<96xi32, #tpu.memory_space<vmem>>) semaphore(%arg17 : memref<!tpu.dma_semaphore, #tpu.memory_space<semaphore_mem>>)
      %mul3A_536 = arith.constant 2 : i32
      %mul3A_537 = arith.muli %mul3A_536, %scan3A_323 : i32
      %add3A_538 = arith.constant 2 : i32
      %add3A_539 = arith.addi %mul3A_537, %add3A_538 : i32
      %mul3A_540 = arith.constant 192 : i32
      %mul3A_541 = arith.muli %add3A_539, %mul3A_540 : i32
      %add3A_542 = arith.addi %mul3A_2, %mul3A_541 : i32
      %dma_wait3A_543 = arith.constant 0 : i32
      %dma_wait3A_544 = tpu.memref_slice %arg3[%add3A_542, %dma_wait3A_543] : memref<320000x128xf32, #tpu.memory_space<hbm>> -> memref<192x128xf32, #tpu.memory_space<hbm>>
      %dma_wait3A_545 = arith.constant 0 : i32
      %dma_wait3A_546 = tpu.memref_slice %arg3[%add3A_542, %dma_wait3A_545] : memref<320000x128xf32, #tpu.memory_space<hbm>> -> memref<192x128xf32, #tpu.memory_space<hbm>>
      tpu.wait_dma2 semaphore(%arg16 : memref<!tpu.dma_semaphore, #tpu.memory_space<semaphore_mem>>) src(%dma_wait3A_546 : memref<192x128xf32, #tpu.memory_space<hbm>>) dst(%arg7 : memref<192x128xf32, #tpu.memory_space<vmem>>)
      %dma_wait3A_547 = arith.constant 0 : i32
      %dma_wait3A_548 = arith.constant 0 : i32
      %dma_wait3A_549 = tpu.memref_slice %arg9[%dma_wait3A_547, %dma_wait3A_548] : memref<192x128xf32, #tpu.memory_space<vmem>> -> memref<96x128xf32, #tpu.memory_space<vmem>>
      %dma_wait3A_550 = arith.constant 0 : i32
      %dma_wait3A_551 = arith.constant 0 : i32
      %dma_wait3A_552 = tpu.memref_slice %arg2[%dma_wait3A_550, %dma_wait3A_551] : memref<10000x128xf32, #tpu.memory_space<hbm>> -> memref<10000x128xf32, #tpu.memory_space<hbm>>
      tpu.wait_indirect_dma semaphore(%arg17 : memref<!tpu.dma_semaphore, #tpu.memory_space<semaphore_mem>>) src(%dma_wait3A_552 : memref<10000x128xf32, #tpu.memory_space<hbm>>) dst(%dma_wait3A_549 : memref<96x128xf32, #tpu.memory_space<vmem>>)
      %dma_wait3A_553 = arith.constant 96 : i32
      %dma_wait3A_554 = arith.constant 0 : i32
      %dma_wait3A_555 = tpu.memref_slice %arg9[%dma_wait3A_553, %dma_wait3A_554] : memref<192x128xf32, #tpu.memory_space<vmem>> -> memref<96x128xf32, #tpu.memory_space<vmem>>
      %dma_wait3A_556 = arith.constant 0 : i32
      %dma_wait3A_557 = arith.constant 0 : i32
      %dma_wait3A_558 = tpu.memref_slice %arg2[%dma_wait3A_556, %dma_wait3A_557] : memref<10000x128xf32, #tpu.memory_space<hbm>> -> memref<10000x128xf32, #tpu.memory_space<hbm>>
      tpu.wait_indirect_dma semaphore(%arg17 : memref<!tpu.dma_semaphore, #tpu.memory_space<semaphore_mem>>) src(%dma_wait3A_558 : memref<10000x128xf32, #tpu.memory_space<hbm>>) dst(%dma_wait3A_555 : memref<96x128xf32, #tpu.memory_space<vmem>>)
      %mul3A_559 = arith.constant 192 : i32
      %mul3A_560 = arith.muli %add3A_539, %mul3A_559 : i32
      %add3A_561 = arith.addi %mul3A_2, %mul3A_560 : i32
      %dma_start3A_562 = arith.constant 0 : i32
      %dma_start3A_563 = tpu.memref_slice %arg5[%add3A_561, %dma_start3A_562] : memref<320000x256xf32, #tpu.memory_space<hbm>> -> memref<192x128xf32, #tpu.memory_space<hbm>>
      %dma_start3A_564 = arith.constant 0 : i32
      %dma_start3A_565 = tpu.memref_slice %arg5[%add3A_561, %dma_start3A_564] : memref<320000x256xf32, #tpu.memory_space<hbm>> -> memref<192x128xf32, #tpu.memory_space<hbm>>
      tpu.enqueue_dma source(%arg7 : memref<192x128xf32, #tpu.memory_space<vmem>>) target(%dma_start3A_565 : memref<192x128xf32, #tpu.memory_space<hbm>>) target_semaphore(%arg18 : memref<!tpu.dma_semaphore, #tpu.memory_space<semaphore_mem>>)
      %dma_start3A_566 = arith.constant 128 : i32
      %dma_start3A_567 = tpu.memref_slice %arg5[%add3A_561, %dma_start3A_566] : memref<320000x256xf32, #tpu.memory_space<hbm>> -> memref<192x128xf32, #tpu.memory_space<hbm>>
      %dma_start3A_568 = arith.constant 128 : i32
      %dma_start3A_569 = tpu.memref_slice %arg5[%add3A_561, %dma_start3A_568] : memref<320000x256xf32, #tpu.memory_space<hbm>> -> memref<192x128xf32, #tpu.memory_space<hbm>>
      tpu.enqueue_dma source(%arg9 : memref<192x128xf32, #tpu.memory_space<vmem>>) target(%dma_start3A_569 : memref<192x128xf32, #tpu.memory_space<hbm>>) target_semaphore(%arg18 : memref<!tpu.dma_semaphore, #tpu.memory_space<semaphore_mem>>)
      %sub3A_570 = arith.constant 1 : i32
      %sub3A_571 = arith.subi %add3A_539, %sub3A_570 : i32
      %mul3A_572 = arith.constant 192 : i32
      %mul3A_573 = arith.muli %sub3A_571, %mul3A_572 : i32
      %add3A_574 = arith.addi %mul3A_2, %mul3A_573 : i32
      %dma_wait3A_575 = arith.constant 0 : i32
      %dma_wait3A_576 = tpu.memref_slice %arg5[%add3A_574, %dma_wait3A_575] : memref<320000x256xf32, #tpu.memory_space<hbm>> -> memref<192x128xf32, #tpu.memory_space<hbm>>
      %dma_wait3A_577 = arith.constant 0 : i32
      %dma_wait3A_578 = tpu.memref_slice %arg5[%add3A_574, %dma_wait3A_577] : memref<320000x256xf32, #tpu.memory_space<hbm>> -> memref<192x128xf32, #tpu.memory_space<hbm>>
      tpu.wait_dma2 semaphore(%arg21 : memref<!tpu.dma_semaphore, #tpu.memory_space<semaphore_mem>>) src(%arg8 : memref<192x128xf32, #tpu.memory_space<vmem>>) dst(%dma_wait3A_578 : memref<192x128xf32, #tpu.memory_space<hbm>>)
      %dma_wait3A_579 = arith.constant 128 : i32
      %dma_wait3A_580 = tpu.memref_slice %arg5[%add3A_574, %dma_wait3A_579] : memref<320000x256xf32, #tpu.memory_space<hbm>> -> memref<192x128xf32, #tpu.memory_space<hbm>>
      %dma_wait3A_581 = arith.constant 128 : i32
      %dma_wait3A_582 = tpu.memref_slice %arg5[%add3A_574, %dma_wait3A_581] : memref<320000x256xf32, #tpu.memory_space<hbm>> -> memref<192x128xf32, #tpu.memory_space<hbm>>
      tpu.wait_dma2 semaphore(%arg21 : memref<!tpu.dma_semaphore, #tpu.memory_space<semaphore_mem>>) src(%arg10 : memref<192x128xf32, #tpu.memory_space<vmem>>) dst(%dma_wait3A_582 : memref<192x128xf32, #tpu.memory_space<hbm>>)
      %add3A_583 = arith.constant 1 : i32
      %add3A_584 = arith.addi %add3A_539, %add3A_583 : i32
      %mul3A_585 = arith.constant 192 : i32
      %mul3A_586 = arith.muli %add3A_584, %mul3A_585 : i32
      %add3A_587 = arith.constant 0 : i32
      %add3A_588 = arith.addi %mul3A_586, %add3A_587 : i32
      %get3A_589 = arith.index_cast %add3A_588 : i32 to index
      %get3A_590 = tpu.vector_load %arg6[%get3A_589] {strides = array<i32>} : memref<10000xi32, #tpu.memory_space<vmem>>, vector<16xi32>,
      %get3A_591 = vector.shape_cast %get3A_590 : vector<16xi32> to vector<16xi32>
      %swap3A_592 = arith.constant 0 : index
      %swap3A_593 = tpu.vector_load %arg14[%swap3A_592] {strides = array<i32>} : memref<96xi32, #tpu.memory_space<vmem>>, vector<16xi32>,
      %swap3A_594 = vector.shape_cast %swap3A_593 : vector<16xi32> to vector<16xi32>
      %swap3A_595 = vector.shape_cast %get3A_591 : vector<16xi32> to vector<16xi32>
      tpu.vector_store %arg14[%swap3A_592], %swap3A_595 {strides = array<i32>} : memref<96xi32, #tpu.memory_space<vmem>>, vector<16xi32>,
      %mul3A_596 = arith.constant 192 : i32
      %mul3A_597 = arith.muli %add3A_584, %mul3A_596 : i32
      %add3A_598 = arith.constant 16 : i32
      %add3A_599 = arith.addi %mul3A_597, %add3A_598 : i32
      %get3A_600 = arith.index_cast %add3A_599 : i32 to index
      %get3A_601 = tpu.vector_load %arg6[%get3A_600] {strides = array<i32>} : memref<10000xi32, #tpu.memory_space<vmem>>, vector<16xi32>,
      %get3A_602 = vector.shape_cast %get3A_601 : vector<16xi32> to vector<16xi32>
      %swap3A_603 = arith.constant 16 : index
      %swap3A_604 = tpu.vector_load %arg14[%swap3A_603] {strides = array<i32>} : memref<96xi32, #tpu.memory_space<vmem>>, vector<16xi32>,
      %swap3A_605 = vector.shape_cast %swap3A_604 : vector<16xi32> to vector<16xi32>
      %swap3A_606 = vector.shape_cast %get3A_602 : vector<16xi32> to vector<16xi32>
      tpu.vector_store %arg14[%swap3A_603], %swap3A_606 {strides = array<i32>} : memref<96xi32, #tpu.memory_space<vmem>>, vector<16xi32>,
      %mul3A_607 = arith.constant 192 : i32
      %mul3A_608 = arith.muli %add3A_584, %mul3A_607 : i32
      %add3A_609 = arith.constant 32 : i32
      %add3A_610 = arith.addi %mul3A_608, %add3A_609 : i32
      %get3A_611 = arith.index_cast %add3A_610 : i32 to index
      %get3A_612 = tpu.vector_load %arg6[%get3A_611] {strides = array<i32>} : memref<10000xi32, #tpu.memory_space<vmem>>, vector<16xi32>,
      %get3A_613 = vector.shape_cast %get3A_612 : vector<16xi32> to vector<16xi32>
      %swap3A_614 = arith.constant 32 : index
      %swap3A_615 = tpu.vector_load %arg14[%swap3A_614] {strides = array<i32>} : memref<96xi32, #tpu.memory_space<vmem>>, vector<16xi32>,
      %swap3A_616 = vector.shape_cast %swap3A_615 : vector<16xi32> to vector<16xi32>
      %swap3A_617 = vector.shape_cast %get3A_613 : vector<16xi32> to vector<16xi32>
      tpu.vector_store %arg14[%swap3A_614], %swap3A_617 {strides = array<i32>} : memref<96xi32, #tpu.memory_space<vmem>>, vector<16xi32>,
      %mul3A_618 = arith.constant 192 : i32
      %mul3A_619 = arith.muli %add3A_584, %mul3A_618 : i32
      %add3A_620 = arith.constant 48 : i32
      %add3A_621 = arith.addi %mul3A_619, %add3A_620 : i32
      %get3A_622 = arith.index_cast %add3A_621 : i32 to index
      %get3A_623 = tpu.vector_load %arg6[%get3A_622] {strides = array<i32>} : memref<10000xi32, #tpu.memory_space<vmem>>, vector<16xi32>,
      %get3A_624 = vector.shape_cast %get3A_623 : vector<16xi32> to vector<16xi32>
      %swap3A_625 = arith.constant 48 : index
      %swap3A_626 = tpu.vector_load %arg14[%swap3A_625] {strides = array<i32>} : memref<96xi32, #tpu.memory_space<vmem>>, vector<16xi32>,
      %swap3A_627 = vector.shape_cast %swap3A_626 : vector<16xi32> to vector<16xi32>
      %swap3A_628 = vector.shape_cast %get3A_624 : vector<16xi32> to vector<16xi32>
      tpu.vector_store %arg14[%swap3A_625], %swap3A_628 {strides = array<i32>} : memref<96xi32, #tpu.memory_space<vmem>>, vector<16xi32>,
      %mul3A_629 = arith.constant 192 : i32
      %mul3A_630 = arith.muli %add3A_584, %mul3A_629 : i32
      %add3A_631 = arith.constant 64 : i32
      %add3A_632 = arith.addi %mul3A_630, %add3A_631 : i32
      %get3A_633 = arith.index_cast %add3A_632 : i32 to index
      %get3A_634 = tpu.vector_load %arg6[%get3A_633] {strides = array<i32>} : memref<10000xi32, #tpu.memory_space<vmem>>, vector<16xi32>,
      %get3A_635 = vector.shape_cast %get3A_634 : vector<16xi32> to vector<16xi32>
      %swap3A_636 = arith.constant 64 : index
      %swap3A_637 = tpu.vector_load %arg14[%swap3A_636] {strides = array<i32>} : memref<96xi32, #tpu.memory_space<vmem>>, vector<16xi32>,
      %swap3A_638 = vector.shape_cast %swap3A_637 : vector<16xi32> to vector<16xi32>
      %swap3A_639 = vector.shape_cast %get3A_635 : vector<16xi32> to vector<16xi32>
      tpu.vector_store %arg14[%swap3A_636], %swap3A_639 {strides = array<i32>} : memref<96xi32, #tpu.memory_space<vmem>>, vector<16xi32>,
      %mul3A_640 = arith.constant 192 : i32
      %mul3A_641 = arith.muli %add3A_584, %mul3A_640 : i32
      %add3A_642 = arith.constant 80 : i32
      %add3A_643 = arith.addi %mul3A_641, %add3A_642 : i32
      %get3A_644 = arith.index_cast %add3A_643 : i32 to index
      %get3A_645 = tpu.vector_load %arg6[%get3A_644] {strides = array<i32>} : memref<10000xi32, #tpu.memory_space<vmem>>, vector<16xi32>,
      %get3A_646 = vector.shape_cast %get3A_645 : vector<16xi32> to vector<16xi32>
      %swap3A_647 = arith.constant 80 : index
      %swap3A_648 = tpu.vector_load %arg14[%swap3A_647] {strides = array<i32>} : memref<96xi32, #tpu.memory_space<vmem>>, vector<16xi32>,
      %swap3A_649 = vector.shape_cast %swap3A_648 : vector<16xi32> to vector<16xi32>
      %swap3A_650 = vector.shape_cast %get3A_646 : vector<16xi32> to vector<16xi32>
      tpu.vector_store %arg14[%swap3A_647], %swap3A_650 {strides = array<i32>} : memref<96xi32, #tpu.memory_space<vmem>>, vector<16xi32>,
      %mul3A_651 = arith.constant 192 : i32
      %mul3A_652 = arith.muli %add3A_584, %mul3A_651 : i32
      %add3A_653 = arith.constant 96 : i32
      %add3A_654 = arith.addi %mul3A_652, %add3A_653 : i32
      %add3A_655 = arith.constant 0 : i32
      %add3A_656 = arith.addi %add3A_654, %add3A_655 : i32
      %get3A_657 = arith.index_cast %add3A_656 : i32 to index
      %get3A_658 = tpu.vector_load %arg6[%get3A_657] {strides = array<i32>} : memref<10000xi32, #tpu.memory_space<vmem>>, vector<16xi32>,
      %get3A_659 = vector.shape_cast %get3A_658 : vector<16xi32> to vector<16xi32>
      %swap3A_660 = arith.constant 0 : index
      %swap3A_661 = tpu.vector_load %arg15[%swap3A_660] {strides = array<i32>} : memref<96xi32, #tpu.memory_space<vmem>>, vector<16xi32>,
      %swap3A_662 = vector.shape_cast %swap3A_661 : vector<16xi32> to vector<16xi32>
      %swap3A_663 = vector.shape_cast %get3A_659 : vector<16xi32> to vector<16xi32>
      tpu.vector_store %arg15[%swap3A_660], %swap3A_663 {strides = array<i32>} : memref<96xi32, #tpu.memory_space<vmem>>, vector<16xi32>,
      %mul3A_664 = arith.constant 192 : i32
      %mul3A_665 = arith.muli %add3A_584, %mul3A_664 : i32
      %add3A_666 = arith.constant 96 : i32
      %add3A_667 = arith.addi %mul3A_665, %add3A_666 : i32
      %add3A_668 = arith.constant 16 : i32
      %add3A_669 = arith.addi %add3A_667, %add3A_668 : i32
      %get3A_670 = arith.index_cast %add3A_669 : i32 to index
      %get3A_671 = tpu.vector_load %arg6[%get3A_670] {strides = array<i32>} : memref<10000xi32, #tpu.memory_space<vmem>>, vector<16xi32>,
      %get3A_672 = vector.shape_cast %get3A_671 : vector<16xi32> to vector<16xi32>
      %swap3A_673 = arith.constant 16 : index
      %swap3A_674 = tpu.vector_load %arg15[%swap3A_673] {strides = array<i32>} : memref<96xi32, #tpu.memory_space<vmem>>, vector<16xi32>,
      %swap3A_675 = vector.shape_cast %swap3A_674 : vector<16xi32> to vector<16xi32>
      %swap3A_676 = vector.shape_cast %get3A_672 : vector<16xi32> to vector<16xi32>
      tpu.vector_store %arg15[%swap3A_673], %swap3A_676 {strides = array<i32>} : memref<96xi32, #tpu.memory_space<vmem>>, vector<16xi32>,
      %mul3A_677 = arith.constant 192 : i32
      %mul3A_678 = arith.muli %add3A_584, %mul3A_677 : i32
      %add3A_679 = arith.constant 96 : i32
      %add3A_680 = arith.addi %mul3A_678, %add3A_679 : i32
      %add3A_681 = arith.constant 32 : i32
      %add3A_682 = arith.addi %add3A_680, %add3A_681 : i32
      %get3A_683 = arith.index_cast %add3A_682 : i32 to index
      %get3A_684 = tpu.vector_load %arg6[%get3A_683] {strides = array<i32>} : memref<10000xi32, #tpu.memory_space<vmem>>, vector<16xi32>,
      %get3A_685 = vector.shape_cast %get3A_684 : vector<16xi32> to vector<16xi32>
      %swap3A_686 = arith.constant 32 : index
      %swap3A_687 = tpu.vector_load %arg15[%swap3A_686] {strides = array<i32>} : memref<96xi32, #tpu.memory_space<vmem>>, vector<16xi32>,
      %swap3A_688 = vector.shape_cast %swap3A_687 : vector<16xi32> to vector<16xi32>
      %swap3A_689 = vector.shape_cast %get3A_685 : vector<16xi32> to vector<16xi32>
      tpu.vector_store %arg15[%swap3A_686], %swap3A_689 {strides = array<i32>} : memref<96xi32, #tpu.memory_space<vmem>>, vector<16xi32>,
      %mul3A_690 = arith.constant 192 : i32
      %mul3A_691 = arith.muli %add3A_584, %mul3A_690 : i32
      %add3A_692 = arith.constant 96 : i32
      %add3A_693 = arith.addi %mul3A_691, %add3A_692 : i32
      %add3A_694 = arith.constant 48 : i32
      %add3A_695 = arith.addi %add3A_693, %add3A_694 : i32
      %get3A_696 = arith.index_cast %add3A_695 : i32 to index
      %get3A_697 = tpu.vector_load %arg6[%get3A_696] {strides = array<i32>} : memref<10000xi32, #tpu.memory_space<vmem>>, vector<16xi32>,
      %get3A_698 = vector.shape_cast %get3A_697 : vector<16xi32> to vector<16xi32>
      %swap3A_699 = arith.constant 48 : index
      %swap3A_700 = tpu.vector_load %arg15[%swap3A_699] {strides = array<i32>} : memref<96xi32, #tpu.memory_space<vmem>>, vector<16xi32>,
      %swap3A_701 = vector.shape_cast %swap3A_700 : vector<16xi32> to vector<16xi32>
      %swap3A_702 = vector.shape_cast %get3A_698 : vector<16xi32> to vector<16xi32>
      tpu.vector_store %arg15[%swap3A_699], %swap3A_702 {strides = array<i32>} : memref<96xi32, #tpu.memory_space<vmem>>, vector<16xi32>,
      %mul3A_703 = arith.constant 192 : i32
      %mul3A_704 = arith.muli %add3A_584, %mul3A_703 : i32
      %add3A_705 = arith.constant 96 : i32
      %add3A_706 = arith.addi %mul3A_704, %add3A_705 : i32
      %add3A_707 = arith.constant 64 : i32
      %add3A_708 = arith.addi %add3A_706, %add3A_707 : i32
      %get3A_709 = arith.index_cast %add3A_708 : i32 to index
      %get3A_710 = tpu.vector_load %arg6[%get3A_709] {strides = array<i32>} : memref<10000xi32, #tpu.memory_space<vmem>>, vector<16xi32>,
      %get3A_711 = vector.shape_cast %get3A_710 : vector<16xi32> to vector<16xi32>
      %swap3A_712 = arith.constant 64 : index
      %swap3A_713 = tpu.vector_load %arg15[%swap3A_712] {strides = array<i32>} : memref<96xi32, #tpu.memory_space<vmem>>, vector<16xi32>,
      %swap3A_714 = vector.shape_cast %swap3A_713 : vector<16xi32> to vector<16xi32>
      %swap3A_715 = vector.shape_cast %get3A_711 : vector<16xi32> to vector<16xi32>
      tpu.vector_store %arg15[%swap3A_712], %swap3A_715 {strides = array<i32>} : memref<96xi32, #tpu.memory_space<vmem>>, vector<16xi32>,
      %mul3A_716 = arith.constant 192 : i32
      %mul3A_717 = arith.muli %add3A_584, %mul3A_716 : i32
      %add3A_718 = arith.constant 96 : i32
      %add3A_719 = arith.addi %mul3A_717, %add3A_718 : i32
      %add3A_720 = arith.constant 80 : i32
      %add3A_721 = arith.addi %add3A_719, %add3A_720 : i32
      %get3A_722 = arith.index_cast %add3A_721 : i32 to index
      %get3A_723 = tpu.vector_load %arg6[%get3A_722] {strides = array<i32>} : memref<10000xi32, #tpu.memory_space<vmem>>, vector<16xi32>,
      %get3A_724 = vector.shape_cast %get3A_723 : vector<16xi32> to vector<16xi32>
      %swap3A_725 = arith.constant 80 : index
      %swap3A_726 = tpu.vector_load %arg15[%swap3A_725] {strides = array<i32>} : memref<96xi32, #tpu.memory_space<vmem>>, vector<16xi32>,
      %swap3A_727 = vector.shape_cast %swap3A_726 : vector<16xi32> to vector<16xi32>
      %swap3A_728 = vector.shape_cast %get3A_724 : vector<16xi32> to vector<16xi32>
      tpu.vector_store %arg15[%swap3A_725], %swap3A_728 {strides = array<i32>} : memref<96xi32, #tpu.memory_space<vmem>>, vector<16xi32>,
      %mul3A_729 = arith.constant 192 : i32
      %mul3A_730 = arith.muli %add3A_584, %mul3A_729 : i32
      %add3A_731 = arith.addi %mul3A_2, %mul3A_730 : i32
      %dma_start3A_732 = arith.constant 0 : i32
      %dma_start3A_733 = tpu.memref_slice %arg3[%add3A_731, %dma_start3A_732] : memref<320000x128xf32, #tpu.memory_space<hbm>> -> memref<192x128xf32, #tpu.memory_space<hbm>>
      %dma_start3A_734 = arith.constant 0 : i32
      %dma_start3A_735 = tpu.memref_slice %arg3[%add3A_731, %dma_start3A_734] : memref<320000x128xf32, #tpu.memory_space<hbm>> -> memref<192x128xf32, #tpu.memory_space<hbm>>
      tpu.enqueue_dma source(%dma_start3A_735 : memref<192x128xf32, #tpu.memory_space<hbm>>) target(%arg8 : memref<192x128xf32, #tpu.memory_space<vmem>>) target_semaphore(%arg19 : memref<!tpu.dma_semaphore, #tpu.memory_space<semaphore_mem>>)
      %dma_start3A_736 = arith.constant 0 : i32
      %dma_start3A_737 = arith.constant 0 : i32
      %dma_start3A_738 = tpu.memref_slice %arg10[%dma_start3A_736, %dma_start3A_737] : memref<192x128xf32, #tpu.memory_space<vmem>> -> memref<96x128xf32, #tpu.memory_space<vmem>>
      %dma_start3A_739 = arith.constant 0 : i32
      %dma_start3A_740 = arith.constant 0 : i32
      %dma_start3A_741 = tpu.memref_slice %arg2[%dma_start3A_739, %dma_start3A_740] : memref<10000x128xf32, #tpu.memory_space<hbm>> -> memref<10000x128xf32, #tpu.memory_space<hbm>>
      tpu.enqueue_indirect_dma source(%dma_start3A_741 : memref<10000x128xf32, #tpu.memory_space<hbm>>) target(%dma_start3A_738 : memref<96x128xf32, #tpu.memory_space<vmem>>) offsets(%arg14 : memref<96xi32, #tpu.memory_space<vmem>>) semaphore(%arg20 : memref<!tpu.dma_semaphore, #tpu.memory_space<semaphore_mem>>)
      %dma_start3A_742 = arith.constant 96 : i32
      %dma_start3A_743 = arith.constant 0 : i32
      %dma_start3A_744 = tpu.memref_slice %arg10[%dma_start3A_742, %dma_start3A_743] : memref<192x128xf32, #tpu.memory_space<vmem>> -> memref<96x128xf32, #tpu.memory_space<vmem>>
      %dma_start3A_745 = arith.constant 0 : i32
      %dma_start3A_746 = arith.constant 0 : i32
      %dma_start3A_747 = tpu.memref_slice %arg2[%dma_start3A_745, %dma_start3A_746] : memref<10000x128xf32, #tpu.memory_space<hbm>> -> memref<10000x128xf32, #tpu.memory_space<hbm>>
      tpu.enqueue_indirect_dma source(%dma_start3A_747 : memref<10000x128xf32, #tpu.memory_space<hbm>>) target(%dma_start3A_744 : memref<96x128xf32, #tpu.memory_space<vmem>>) offsets(%arg15 : memref<96xi32, #tpu.memory_space<vmem>>) semaphore(%arg20 : memref<!tpu.dma_semaphore, #tpu.memory_space<semaphore_mem>>)
      %scan3A_748 = arith.constant 0 : i32
      scf.yield %scan3A_748 : i32
    }
    %scan3A_256 = arith.constant 25 : i32
    %add3A_257 = arith.constant 9792 : i32
    %add3A_258 = arith.addi %mul3A_2, %add3A_257 : i32
    %dma_wait3A_259 = arith.constant 0 : i32
    %dma_wait3A_260 = tpu.memref_slice %arg3[%add3A_258, %dma_wait3A_259] : memref<320000x128xf32, #tpu.memory_space<hbm>> -> memref<192x128xf32, #tpu.memory_space<hbm>>
    %dma_wait3A_261 = arith.constant 0 : i32
    %dma_wait3A_262 = tpu.memref_slice %arg3[%add3A_258, %dma_wait3A_261] : memref<320000x128xf32, #tpu.memory_space<hbm>> -> memref<192x128xf32, #tpu.memory_space<hbm>>
    tpu.wait_dma2 semaphore(%arg19 : memref<!tpu.dma_semaphore, #tpu.memory_space<semaphore_mem>>) src(%dma_wait3A_262 : memref<192x128xf32, #tpu.memory_space<hbm>>) dst(%arg8 : memref<192x128xf32, #tpu.memory_space<vmem>>)
    %dma_wait3A_263 = arith.constant 0 : i32
    %dma_wait3A_264 = arith.constant 0 : i32
    %dma_wait3A_265 = tpu.memref_slice %arg10[%dma_wait3A_263, %dma_wait3A_264] : memref<192x128xf32, #tpu.memory_space<vmem>> -> memref<96x128xf32, #tpu.memory_space<vmem>>
    %dma_wait3A_266 = arith.constant 0 : i32
    %dma_wait3A_267 = arith.constant 0 : i32
    %dma_wait3A_268 = tpu.memref_slice %arg2[%dma_wait3A_266, %dma_wait3A_267] : memref<10000x128xf32, #tpu.memory_space<hbm>> -> memref<10000x128xf32, #tpu.memory_space<hbm>>
    tpu.wait_indirect_dma semaphore(%arg20 : memref<!tpu.dma_semaphore, #tpu.memory_space<semaphore_mem>>) src(%dma_wait3A_268 : memref<10000x128xf32, #tpu.memory_space<hbm>>) dst(%dma_wait3A_265 : memref<96x128xf32, #tpu.memory_space<vmem>>)
    %dma_wait3A_269 = arith.constant 96 : i32
    %dma_wait3A_270 = arith.constant 0 : i32
    %dma_wait3A_271 = tpu.memref_slice %arg10[%dma_wait3A_269, %dma_wait3A_270] : memref<192x128xf32, #tpu.memory_space<vmem>> -> memref<96x128xf32, #tpu.memory_space<vmem>>
    %dma_wait3A_272 = arith.constant 0 : i32
    %dma_wait3A_273 = arith.constant 0 : i32
    %dma_wait3A_274 = tpu.memref_slice %arg2[%dma_wait3A_272, %dma_wait3A_273] : memref<10000x128xf32, #tpu.memory_space<hbm>> -> memref<10000x128xf32, #tpu.memory_space<hbm>>
    tpu.wait_indirect_dma semaphore(%arg20 : memref<!tpu.dma_semaphore, #tpu.memory_space<semaphore_mem>>) src(%dma_wait3A_274 : memref<10000x128xf32, #tpu.memory_space<hbm>>) dst(%dma_wait3A_271 : memref<96x128xf32, #tpu.memory_space<vmem>>)
    %add3A_275 = arith.constant 9792 : i32
    %add3A_276 = arith.addi %mul3A_2, %add3A_275 : i32
    %dma_start3A_277 = arith.constant 0 : i32
    %dma_start3A_278 = tpu.memref_slice %arg5[%add3A_276, %dma_start3A_277] : memref<320000x256xf32, #tpu.memory_space<hbm>> -> memref<192x128xf32, #tpu.memory_space<hbm>>
    %dma_start3A_279 = arith.constant 0 : i32
    %dma_start3A_280 = tpu.memref_slice %arg5[%add3A_276, %dma_start3A_279] : memref<320000x256xf32, #tpu.memory_space<hbm>> -> memref<192x128xf32, #tpu.memory_space<hbm>>
    tpu.enqueue_dma source(%arg8 : memref<192x128xf32, #tpu.memory_space<vmem>>) target(%dma_start3A_280 : memref<192x128xf32, #tpu.memory_space<hbm>>) target_semaphore(%arg21 : memref<!tpu.dma_semaphore, #tpu.memory_space<semaphore_mem>>)
    %dma_start3A_281 = arith.constant 128 : i32
    %dma_start3A_282 = tpu.memref_slice %arg5[%add3A_276, %dma_start3A_281] : memref<320000x256xf32, #tpu.memory_space<hbm>> -> memref<192x128xf32, #tpu.memory_space<hbm>>
    %dma_start3A_283 = arith.constant 128 : i32
    %dma_start3A_284 = tpu.memref_slice %arg5[%add3A_276, %dma_start3A_283] : memref<320000x256xf32, #tpu.memory_space<hbm>> -> memref<192x128xf32, #tpu.memory_space<hbm>>
    tpu.enqueue_dma source(%arg10 : memref<192x128xf32, #tpu.memory_space<vmem>>) target(%dma_start3A_284 : memref<192x128xf32, #tpu.memory_space<hbm>>) target_semaphore(%arg21 : memref<!tpu.dma_semaphore, #tpu.memory_space<semaphore_mem>>)
    %add3A_285 = arith.constant 9600 : i32
    %add3A_286 = arith.addi %mul3A_2, %add3A_285 : i32
    %dma_wait3A_287 = arith.constant 0 : i32
    %dma_wait3A_288 = tpu.memref_slice %arg5[%add3A_286, %dma_wait3A_287] : memref<320000x256xf32, #tpu.memory_space<hbm>> -> memref<192x128xf32, #tpu.memory_space<hbm>>
    %dma_wait3A_289 = arith.constant 0 : i32
    %dma_wait3A_290 = tpu.memref_slice %arg5[%add3A_286, %dma_wait3A_289] : memref<320000x256xf32, #tpu.memory_space<hbm>> -> memref<192x128xf32, #tpu.memory_space<hbm>>
    tpu.wait_dma2 semaphore(%arg18 : memref<!tpu.dma_semaphore, #tpu.memory_space<semaphore_mem>>) src(%arg7 : memref<192x128xf32, #tpu.memory_space<vmem>>) dst(%dma_wait3A_290 : memref<192x128xf32, #tpu.memory_space<hbm>>)
    %dma_wait3A_291 = arith.constant 128 : i32
    %dma_wait3A_292 = tpu.memref_slice %arg5[%add3A_286, %dma_wait3A_291] : memref<320000x256xf32, #tpu.memory_space<hbm>> -> memref<192x128xf32, #tpu.memory_space<hbm>>
    %dma_wait3A_293 = arith.constant 128 : i32
    %dma_wait3A_294 = tpu.memref_slice %arg5[%add3A_286, %dma_wait3A_293] : memref<320000x256xf32, #tpu.memory_space<hbm>> -> memref<192x128xf32, #tpu.memory_space<hbm>>
    tpu.wait_dma2 semaphore(%arg18 : memref<!tpu.dma_semaphore, #tpu.memory_space<semaphore_mem>>) src(%arg9 : memref<192x128xf32, #tpu.memory_space<vmem>>) dst(%dma_wait3A_294 : memref<192x128xf32, #tpu.memory_space<hbm>>)
    %add3A_295 = arith.constant 9792 : i32
    %add3A_296 = arith.addi %mul3A_2, %add3A_295 : i32
    %dma_wait3A_297 = arith.constant 0 : i32
    %dma_wait3A_298 = tpu.memref_slice %arg5[%add3A_296, %dma_wait3A_297] : memref<320000x256xf32, #tpu.memory_space<hbm>> -> memref<192x128xf32, #tpu.memory_space<hbm>>
    %dma_wait3A_299 = arith.constant 0 : i32
    %dma_wait3A_300 = tpu.memref_slice %arg5[%add3A_296, %dma_wait3A_299] : memref<320000x256xf32, #tpu.memory_space<hbm>> -> memref<192x128xf32, #tpu.memory_space<hbm>>
    tpu.wait_dma2 semaphore(%arg21 : memref<!tpu.dma_semaphore, #tpu.memory_space<semaphore_mem>>) src(%arg8 : memref<192x128xf32, #tpu.memory_space<vmem>>) dst(%dma_wait3A_300 : memref<192x128xf32, #tpu.memory_space<hbm>>)
    %dma_wait3A_301 = arith.constant 128 : i32
    %dma_wait3A_302 = tpu.memref_slice %arg5[%add3A_296, %dma_wait3A_301] : memref<320000x256xf32, #tpu.memory_space<hbm>> -> memref<192x128xf32, #tpu.memory_space<hbm>>
    %dma_wait3A_303 = arith.constant 128 : i32
    %dma_wait3A_304 = tpu.memref_slice %arg5[%add3A_296, %dma_wait3A_303] : memref<320000x256xf32, #tpu.memory_space<hbm>> -> memref<192x128xf32, #tpu.memory_space<hbm>>
    tpu.wait_dma2 semaphore(%arg21 : memref<!tpu.dma_semaphore, #tpu.memory_space<semaphore_mem>>) src(%arg10 : memref<192x128xf32, #tpu.memory_space<vmem>>) dst(%dma_wait3A_304 : memref<192x128xf32, #tpu.memory_space<hbm>>)
    %dma_wait3A_305 = arith.constant 0 : i32
    %dma_wait3A_306 = arith.constant 0 : i32
    %dma_wait3A_307 = tpu.memref_slice %arg11[%dma_wait3A_305, %dma_wait3A_306] : memref<16x256xf32, #tpu.memory_space<vmem>> -> memref<16x128xf32, #tpu.memory_space<vmem>>
    %dma_wait3A_308 = arith.constant 0 : i32
    %dma_wait3A_309 = tpu.memref_slice %arg3[%add3A_4, %dma_wait3A_308] : memref<320000x128xf32, #tpu.memory_space<hbm>> -> memref<16x128xf32, #tpu.memory_space<hbm>>
    %dma_wait3A_310 = arith.constant 0 : i32
    %dma_wait3A_311 = arith.constant 0 : i32
    %dma_wait3A_312 = tpu.memref_slice %arg11[%dma_wait3A_310, %dma_wait3A_311] : memref<16x256xf32, #tpu.memory_space<vmem>> -> memref<16x128xf32, #tpu.memory_space<vmem>>
    %dma_wait3A_313 = arith.constant 0 : i32
    %dma_wait3A_314 = tpu.memref_slice %arg3[%add3A_4, %dma_wait3A_313] : memref<320000x128xf32, #tpu.memory_space<hbm>> -> memref<16x128xf32, #tpu.memory_space<hbm>>
    tpu.wait_dma2 semaphore(%arg22 : memref<!tpu.dma_semaphore, #tpu.memory_space<semaphore_mem>>) src(%dma_wait3A_314 : memref<16x128xf32, #tpu.memory_space<hbm>>) dst(%dma_wait3A_312 : memref<16x128xf32, #tpu.memory_space<vmem>>)
    %dma_wait3A_315 = arith.constant 0 : i32
    %dma_wait3A_316 = arith.constant 128 : i32
    %dma_wait3A_317 = tpu.memref_slice %arg11[%dma_wait3A_315, %dma_wait3A_316] : memref<16x256xf32, #tpu.memory_space<vmem>> -> memref<16x128xf32, #tpu.memory_space<vmem>>
    %dma_wait3A_318 = arith.constant 9984 : i32
    %dma_wait3A_319 = tpu.memref_slice %arg6[%dma_wait3A_318] : memref<10000xi32, #tpu.memory_space<vmem>> -> memref<16xi32, #tpu.memory_space<vmem>>
    %dma_wait3A_320 = arith.constant 0 : i32
    %dma_wait3A_321 = arith.constant 0 : i32
    %dma_wait3A_322 = tpu.memref_slice %arg2[%dma_wait3A_320, %dma_wait3A_321] : memref<10000x128xf32, #tpu.memory_space<hbm>> -> memref<10000x128xf32, #tpu.memory_space<hbm>>
    tpu.wait_indirect_dma semaphore(%arg22 : memref<!tpu.dma_semaphore, #tpu.memory_space<semaphore_mem>>) src(%dma_wait3A_322 : memref<10000x128xf32, #tpu.memory_space<hbm>>) dst(%dma_wait3A_317 : memref<16x128xf32, #tpu.memory_space<vmem>>)
    "tpu.region"() ({
      %run_scoped3A = tpu.sem_alloc : memref<!tpu.dma_semaphore, #tpu.memory_space<semaphore_mem>>
      %dma_start3A_323 = arith.constant 0 : i32
      %dma_start3A_324 = tpu.memref_slice %arg5[%add3A_4, %dma_start3A_323] : memref<320000x256xf32, #tpu.memory_space<hbm>> -> memref<16x256xf32, #tpu.memory_space<hbm>>
      %dma_start3A_325 = arith.constant 0 : i32
      %dma_start3A_326 = tpu.memref_slice %arg5[%add3A_4, %dma_start3A_325] : memref<320000x256xf32, #tpu.memory_space<hbm>> -> memref<16x256xf32, #tpu.memory_space<hbm>>
      tpu.enqueue_dma source(%arg11 : memref<16x256xf32, #tpu.memory_space<vmem>>) target(%dma_start3A_326 : memref<16x256xf32, #tpu.memory_space<hbm>>) target_semaphore(%run_scoped3A : memref<!tpu.dma_semaphore, #tpu.memory_space<semaphore_mem>>)
      %dma_wait3A_327 = arith.constant 0 : i32
      %dma_wait3A_328 = tpu.memref_slice %arg5[%add3A_4, %dma_wait3A_327] : memref<320000x256xf32, #tpu.memory_space<hbm>> -> memref<16x256xf32, #tpu.memory_space<hbm>>
      %dma_wait3A_329 = arith.constant 0 : i32
      %dma_wait3A_330 = tpu.memref_slice %arg5[%add3A_4, %dma_wait3A_329] : memref<320000x256xf32, #tpu.memory_space<hbm>> -> memref<16x256xf32, #tpu.memory_space<hbm>>
      tpu.wait_dma2 semaphore(%run_scoped3A : memref<!tpu.dma_semaphore, #tpu.memory_space<semaphore_mem>>) src(%arg11 : memref<16x256xf32, #tpu.memory_space<vmem>>) dst(%dma_wait3A_330 : memref<16x256xf32, #tpu.memory_space<hbm>>)
      tpu.yield
    }) : () -> ()
    return
  }
}

</mosaic_0001>

<sc_bundles>
// kernel: kernel.3.cloned.1.call-start
scs
__scs_entry_jumppad:
0x0: {  	(pc) =	sbr.rel $0x88, $3  }
0x1: {  	(tag) =	ssettag $0x0;
	lr =	simm.s32 $0x1  }
0x2: {  	[smem:$0x3F9E] =	sst lr;
	_ =	strace $0xD0000000  }
0x3: {  	_ = 	snop  }
0x4: {  	_ = 	snop  }
0x5: {  	_ = 	snop  }
0x6: {  	_ = 	snop  }
0x7: {  	_ = 	snop  }
__scs_overlays_trampoline_lowered:
0x8: {  	[smem:$0x3FAD] =	sst s0  }
0x9: {  	[smem:$0x3FAE] =	sst s1  }
0xa: {  	[smem:$0x3FAF] =	sst s2  }
0xb: {  	[smem:$0x3FB0] =	sst s3  }
0xc: {  	[smem:$0x3FB1] =	sst s4  }
0xd: {  	[smem:$0x3FB2] =	sst s5  }
0xe: {  	[smem:$0x3FB3] =	sst s6  }
0xf: {  	[smem:$0x3FB4] =	sst s7  }
0x10: {  	[smem:$0x3FB5] =	sst s8  }
0x11: {  	[smem:$0x3FB6] =	sst s9;
	s0 =	simm.s32 @!p0 $0x0  }
0x12: {  	s1 =	sld [smem:$0x3F9C];
	s0 =	simm.s32 @p0 $0x1  }
0x13: {  	[smem:$0x3FB7] =	sst s0;
	s0 =	simm.s32 @!p1 $0x0  }
0x14: {  	s2 =	sld [smem:$0x3F9B];
	s0 =	simm.s32 @p1 $0x1  }
0x15: {  	[smem:$0x3FB8] =	sst s0;
	s0 =	simm.s32 @!p2 $0x0  }
0x16: {  	s3 =	sld [smem:$0x3FDB];
	s0 =	simm.s32 @p2 $0x1  }
0x17: {  	s4 =	simm.s32 $0x1BF5;
	[smem:$0x3FBA] =	sst s0  }
0x18: {  	s0 =	sld [smem:$0x3F9D];
	_ =	swait.ge [sflag:s4], $0x0  }
0x19: {  	s7 =	sld [smem:$0x3F9E]  }
0x1a: {  	s8 =	sadd.s32 $0xFFFFE003, lr  }
0x1b: {  	s9 =	sadd.s32 $0xFFFFFEF7, lr;
	s5 =	simm.s32 $0xFFFFFFFF;
	p2 =	slt.u32 s8, $0xFFFFF086  }
0x1c: {  	p1 =	slt.u32 s9, $0xF7A;
	s5 =	simm.s32 @!p2 $0x0  }
0x1d: {  	s5 =	simm.s32 @p1 $0x1;
	p0 =	seq.s32 s7, s2  }
0x1e: {  	s7 =	smul.u32 @!p0 $0xF7A, s2;
	p2 =	seq.s32 @!p0 s5, $0x0  }
0x1f: {  	s9 =	smul.u32 $0xF7A, s1;
	s8 =	simm.s32 @!p0 $0x1BF5;
	p2 =	por !p2, p0  }
0x20: {  	[sflag:s8] =	ssyncset.s32 @!p0 $0xFFFFF086;
	s6 =	sadd.s32 @!p0 s3, s7;
	s7 =	simm.s32 @!p0 $0x108  }
0x21: {  	s3 =	sadd.s32 s3, s9;
	s6 =	sadd.s32 @!p0 $0x88, s6;
	s7 =	simm.s32 @p2 $0x1082  }
0x22: {  	[simem:s7], [sflag:s8] =	dma.local @!p0 [hbm:s6], $0xF7A  }
0x23: {  	s9 =	sor.u32 $0xD0000000, s2;
	s6 =	simm.s32 $0x108;
	_ =	swait.ge @!p0 [sflag:s8], $0x0  }
0x24: {  	s3 =	sadd.s32 $0x88, s3;
	s6 =	simm.s32 @!p1 $0x1082;
	[sflag:s4] =	ssyncset.s32 $0xFFFFF086  }
0x25: {  	[simem:s6], [sflag:s4] =	dma.local [hbm:s3], $0xF7A  }
0x26: {  	[smem:$0x3F9E] =	sst s1;
	(tag) =	ssettag s2;
	_ =	strace s9  }
0x27: {  	s1 =	sld [smem:$0x3FAE]  }
0x28: {  	s2 =	sld [smem:$0x3FAF]  }
0x29: {  	s4 =	sld [smem:$0x3FB1]  }
0x2a: {  	p0 =	seq.s32 s5, $0x0;
	s5 =	sld [smem:$0x3FB2]  }
0x2b: {  	s6 =	sld [smem:$0x3FB3]  }
0x2c: {  	s7 =	sld [smem:$0x3FB4]  }
0x2d: {  	s3 =	simm.s32 $0x108;
	s8 =	sld [smem:$0x3FB5]  }
0x2e: {  	s3 =	simm.s32 @!p0 $0x1082;
	s9 =	sld [smem:$0x3FB6]  }
0x2f: {  	lr =	sadd.s32 s0, s3;
	s0 =	sld [smem:$0x3FAD]  }
0x30: {  	s3 =	sld [smem:$0x3FB0]  }
0x31: {  	[smem:$0x3FB9] =	sst s10  }
0x32: {  	s10 =	sld [smem:$0x3FB7];
	_ =	sdelay $0x3  }
0x33: {  	p0 =	seq.s32 s10, $0x1;
	s10 =	sld [smem:$0x3FB9];
	_ =	sdelay $0x3  }
0x34: {  	[smem:$0x3FB9] =	sst s10  }
0x35: {  	s10 =	sld [smem:$0x3FB8];
	_ =	sdelay $0x3  }
0x36: {  	p1 =	seq.s32 s10, $0x1;
	s10 =	sld [smem:$0x3FB9];
	_ =	sdelay $0x3  }
0x37: {  	[smem:$0x3FB9] =	sst s10  }
0x38: {  	s10 =	sld [smem:$0x3FBA]  }
0x39: {  	_ = 	snop;
	(pc) =	sbr.ind lr, $3  }
0x3a: {  	_ = 	snop  }
0x3b: {  	_ = 	snop  }
0x3c: {  	p2 =	seq.s32 s10, $0x1;
	s10 =	sld [smem:$0x3FB9]  }
0x3d: {  	_ =	shalt  }
0x3e: {  	_ =	shalt  }
0x3f: {  	_ =	shalt  }
0x40: {  	_ =	shalt  }
0x41: {  	_ =	shalt  }
0x42: {  	_ =	shalt  }
0x43: {  	_ =	shalt  }
0x44: {  	_ =	shalt  }
0x45: {  	_ =	shalt  }
0x46: {  	_ =	shalt  }
0x47: {  	_ =	shalt  }
0x48: {  	_ =	shalt  }
0x49: {  	_ =	shalt  }
0x4a: {  	_ =	shalt  }
0x4b: {  	_ =	shalt  }
0x4c: {  	_ =	shalt  }
0x4d: {  	_ =	shalt  }
0x4e: {  	_ =	shalt  }
0x4f: {  	_ =	shalt  }
0x50: {  	_ =	shalt  }
0x51: {  	_ =	shalt  }
0x52: {  	_ =	shalt  }
0x53: {  	_ =	shalt  }
0x54: {  	_ =	shalt  }
0x55: {  	_ =	shalt  }
0x56: {  	_ =	shalt  }
0x57: {  	_ =	shalt  }
0x58: {  	_ =	shalt  }
0x59: {  	_ =	shalt  }
0x5a: {  	_ =	shalt  }
0x5b: {  	_ =	shalt  }
0x5c: {  	_ =	shalt  }
0x5d: {  	_ =	shalt  }
0x5e: {  	_ =	shalt  }
0x5f: {  	_ =	shalt  }
0x60: {  	_ =	shalt  }
0x61: {  	_ =	shalt  }
0x62: {  	_ =	shalt  }
0x63: {  	_ =	shalt  }
0x64: {  	_ =	shalt  }
0x65: {  	_ =	shalt  }
0x66: {  	_ =	shalt  }
0x67: {  	_ =	shalt  }
0x68: {  	_ =	shalt  }
0x69: {  	_ =	shalt  }
0x6a: {  	_ =	shalt  }
0x6b: {  	_ =	shalt  }
0x6c: {  	_ =	shalt  }
0x6d: {  	_ =	shalt  }
0x6e: {  	_ =	shalt  }
0x6f: {  	_ =	shalt  }
0x70: {  	_ =	shalt  }
0x71: {  	_ =	shalt  }
0x72: {  	_ =	shalt  }
0x73: {  	_ =	shalt  }
0x74: {  	_ =	shalt  }
0x75: {  	_ =	shalt  }
0x76: {  	_ =	shalt  }
0x77: {  	_ =	shalt  }
0x78: {  	_ =	shalt  }
0x79: {  	_ =	shalt  }
0x7a: {  	_ =	shalt  }
0x7b: {  	_ =	shalt  }
0x7c: {  	_ =	shalt  }
0x7d: {  	_ =	shalt  }
0x7e: {  	_ =	shalt  }
0x7f: {  	_ =	shalt  }
0x80: {  	_ =	shalt  }
0x81: {  	_ =	shalt  }
0x82: {  	_ =	shalt  }
0x83: {  	_ =	shalt  }
0x84: {  	_ =	shalt  }
0x85: {  	_ =	shalt  }
0x86: {  	_ =	shalt  }
0x87: {  	_ =	shalt  }
.Lfunc_end0:
.L_simem_size_0:
called_computation_lowered:
.L_overlay_start_0:
0x88: {  	s2 =	sld [smem:$0x3FD9]  }
0x89: {  	s3 =	sld [smem:$0x3FFE];
	_ =	sdelay $0x1  }
0x8a: {  	s1 =	srdreg.scid  }
0x8b: {  	s0 =	sand.u32 $0x1, s1  }
0x8c: {  	s17 =	sshll.u32 s0, $0xA;
	s2 =	sadd.s32 s3, s2  }
0x8d: {  	s2 =	sadd.s32 s2, s17  }
0x8e: {  	[smem:$0x3FC5] =	sst s2  }
0x8f: {  	_ = 	snop  }
0x90: {  	s2 =	sld [smem:$0x3FC9]  }
0x91: {  	s18 =	sld [smem:$0x3FC8]  }
0x92: {  	s4 =	sld [smem:$0x3FD0];
	(tm) =	ssettm $0x1  }
0x93: {  	s5 =	sld [smem:$0x3FFB];
	_ =	sdelay $0x3  }
0x94: {  	_ =	strace s5  }
0x95: {  	s5 =	sld [smem:$0x3FFC];
	_ =	sdelay $0x3  }
0x96: {  	_ =	strace s5  }
0x97: {  	s5 =	sld [smem:$0x3FFD];
	_ =	sdelay $0x3  }
0x98: {  	_ =	strace s5  }
0x99: {  	_ =	strace $0x8FFFFFFF  }
0x9a: {  	s19 =	sld [smem:$0x3FDB];
	_ =	sdelay $0x1  }
0x9b: {  	s6 =	simm.s32 $_scs_section_size  }
0x9c: {  	s7 =	simm.s32 $_size__tile_overlayer_lowered;
	s8 =	simm.s32 $_tile_overlayer_lowered  }
0x9d: {  	s22 =	simm.s32 $0x1BFF;
	s21 =	sshll.u32 s8, $0x1;
	s5 =	sadd.s32 s6, s19  }
0x9e: {  	s9 =	simm.s32 $0x0;
	s20 =	sshll.u32 s7, $0x1;
	s7 =	sadd.s32 s21, s5  }
0x9f: {  	[timem:s9], [sflag:s22] =	dma.local [hbm:s7], s20  }
0xa0: {  	_ =	swait.ge [sflag:s22], s20  }
0xa1: {  	s6 =	ssub.s32 $0x0, s20;
	[sflag:s22] =	ssyncset.done $0x0  }
0xa2: {  	[sflag:s22] =	ssyncadd.s32 s6;
	_ =	sdelay $0x1  }
0xa3: {  	s23 =	simm.s32 $0x1B8B  }
0xa4: {  	_ =	swait.ge [sflag:s23], $0x1  }
0xa5: {  	[sflag:s23] =	ssyncset.done $0x0  }
0xa6: {  	s25 =	simm.s32 $0x1B8E;
	s24 =	sld [smem:$0x3FFE];
	[sflag:s23] =	ssyncadd.s32 $0xFFFFFFFF  }
0xa7: {  	s26 =	simm.s32 $execute0_lowered;
	[smem:$0x3FD2] =	sst s25  }
0xa8: {  	s7 =	sshll.u32 s26, $0x1;
	_ =	strace $0x80000046;
	[dreg:$0x1] =	wrdreg $0xFFFFFFFF  }
0xa9: {  	s28 =	simm.s32 $_size_execute0_lowered;
	s5 =	sadd.s32 s5, s7;
	[dreg:$0x0] =	wrdreg $0x0  }
0xaa: {  	s7 =	sshll.u32 s28, $0x1;
	[dreg:$0x2] =	wrdreg s5  }
0xab: {  	[dreg:$0x3] =	wrdreg s7  }
0xac: {  	[dreg:$0x4] =	wrdreg $0xC0  }
0xad: {  	_ =	task [dreg:s9], $0x5FFFF  }
0xae: {  	[dreg:$0x1] =	wrdreg $0xFFFFFFFF  }
0xaf: {  	[dreg:$0x0] =	wrdreg $0x60  }
0xb0: {  	[dreg:$0x2] =	wrdreg s2  }
0xb1: {  	[dreg:$0x3] =	wrdreg s18  }
0xb2: {  	[dreg:$0x4] =	wrdreg s24  }
0xb3: {  	[dreg:$0x5] =	wrdreg s4  }
0xb4: {  	[dreg:$0x6] =	wrdreg $0x9  }
0xb5: {  	_ =	task.clear_ibuf [dreg:s9], $0x7FFFF;
	_ =	strace $0x90000046  }
0xb6: {  	s29 =	simm.s32 $0x9;
	_ =	strace $0x80000048  }
0xb7: {  	_ =	swait.ge [sflag:s29], $0x1  }
0xb8: {  	[sflag:s29] =	ssyncadd.s32 $0xFFFFFFFF  }
0xb9: {  	_ =	strace $0x90000048  }
0xba: {  	_ =	sfence  }
0xbb: {  	s30 =	sld [smem:$0x0];
	_ =	sdelay $0x2  }
0xbc: {  	s31 =	sshll.u32 s1, $0xD;
	s1 =	sshrl.u32 s1, $0x2  }
0xbd: {  	s3 =	sand.u32 $0x4000, s31;
	s1 =	sadd.s32 s1, s30  }
0xbe: {  	s0 =	sor.u32 s3, s0;
	s1 =	sshll.u32 s1, $0x11  }
0xbf: {  	s0 =	sor.u32 s1, s0  }
0xc0: {  	s0 =	sadd.s32 $0x8F2B, s0  }
0xc1: {  	[sflag:s0] =	ssyncadd.remote.s32 $0x1  }
0xc2: {  	_ =	sfence.sel $0xFFFF  }
0xc3: {  	[dreg:$0x0] =	wrdreg $0xFFFFFFFF;
	(pc) =	sbr.abs _section_cstart, $3  }
0xc4: {  	[dreg:$0x1] =	wrdreg $0xFFFFFFFF  }
0xc5: {  	_ =	task.clear_ibuf [dreg:s9], $0x2FFFF;
	_ =	strace $0x9FFFFFFF  }
0xc6: {  	(tm) =	ssettm $0x7FFFFFFF  }
0xc7: {  	_ =	shalt  }
tec
execute0_lowered:
.L_overlay_start_1:
0x0: {  	(tag) =	ssettag $0x1  }
0x1: {  	s1 =	rddreg [dreg:$0x0]  }
0x2: {  	s0 =	rddreg [dreg:$0x1]  }
0x3: {  	s2 =	rddreg [dreg:$0x2]  }
0x4: {  	s3 =	srdreg.scid;
	s13 =	stileid.u32  }
0x5: {  	s4 =	rddreg [dreg:$0x3];
	s28 =	simm.s32 $0x1;
	s15 =	smul.u32 $0x9C400, s13  }
0x6: {  	s29 =	simm.s32 $0x2;
	s5 =	sand.u32 $0x1, s3;
	s19 =	smul.u32 $0x4E200, s13  }
0x7: {  	s30 =	simm.s32 $0x400;
	s6 =	sshll.u32 s13, $0x1;
	s17 =	smul.u32 $0x4E200, s5  }
0x8: {  	s6 =	sor.u32 s5, s6;
	s7 =	ssub.s32 $0x2, s5;
	s5 =	smul.u32 $0x27100, s5  }
0x9: {  	s31 =	simm.s32 $0x800;
	s3 =	simm.s32 $0x0;
	s8 =	smul.u32 $0x2710, s6  }
0xa: {  	s13 =	simm.s32 $0x1A780;
	[smem:$0x7FF] =	sst s3;
	s10 =	smul.u32 $0x27100, s6  }
0xb: {  	_ =	strace $0x80000047;
	s9 =	sshrl.u32 s7, $0x1;
	s26 =	smul.u32 $0x271000, s6  }
0xc: {  	s6 =	smul.u32 $0x138800, s6;
	s9 =	ssub.s32 s7, s9;
	s11 =	sadd.s32 $0x2700, s8  }
0xd: {  	s8 =	sshrl.u32 s8, $0x3;
	s10 =	sadd.s32 s0, s10;
	s14 =	sshrl.u32 s26, $0x3  }
0xe: {  	s6 =	sshrl.u32 s6, $0x3;
	s25 =	smax.u32 s9, $0x1;
	s9 =	simm.s32 $0x6  }
0xf: {  	s12 =	sshll.u32 s11, $0x4;
	s2 =	sadd.s32 s2, s8;
	[dreg:$0x8] =	wrdreg s10  }
0x10: {  	s7 =	sadd.s32 s4, s14;
	s16 =	sadd.s32 s0, s6;
	s22 =	sshll.u32 s11, $0x5  }
0x11: {  	s8 =	sadd.s32 s15, s4;
	[dreg:$0xe] =	wrdreg s25;
	s15 =	simm.s32 $0x8  }
0x12: {  	s25 =	simm.s32 $0x1B800;
	s6 =	simm.s32 $0x5;
	s10 =	simm.s32 $0x7  }
0x13: {  	s11 =	simm.s32 $0x0;
	[dreg:$0x6] =	wrdreg s2;
	s18 =	sadd.s32 $0x80, s7  }
0x14: {  	s12 =	sadd.s32 s0, s12;
	s2 =	sadd.s32 $0xC00, s16;
	[dreg:$0x9] =	wrdreg s18  }
0x15: {  	s20 =	sadd.s32 $0x4C800, s7;
	s21 =	sadd.s32 $0x4C880, s7;
	[dreg:$0xa] =	wrdreg s2  }
0x16: {  	s0 =	sadd.s32 s19, s0;
	s23 =	sadd.s32 s4, s22;
	[dreg:$0xb] =	wrdreg s20  }
0x17: {  	s24 =	sadd.s32 s17, s8;
	s22 =	simm.s32 $0x60;
	[dreg:$0xc] =	wrdreg s21  }
0x18: {  	s19 =	simm.s32 $0x1B900;
	s4 =	simm.s32 $0x4;
	[dreg:$0xd] =	wrdreg s23  }
0x19: {  	s8 =	simm.s32 $0x3;
	s0 =	sadd.s32 s5, s0;
	[dreg:$0x5] =	wrdreg s24  }
0x1a: {  	[dreg:$0x7] =	wrdreg s12;
	s26 =	sadd.s32 $0x80, s12;
	s21 =	simm.s32 $0x2780  }
0x1b: {  	v2 =	vlaneseq.u32;
	s23 =	simm.s32 $0x1B780;
	s24 =	simm.s32 $0xE780;
	s2 =	simm.s32 $0x8780  }
0x1c: {  	vm0 =	vmmov $0xff;
	v1 =	vshrl.u32 v2, $0x3;
	s18 =	simm.s32 $0x14780;
	s20 =	simm.s32 $0x17780;
	s14 =	sadd.s32 $0x2400, s0  }
0x1d: {  	v0 =	vand.u32 $0x7, v2;
	v2 =	vor.u32 $0x8, v2;
	v1 =	vmul.u32 $0x8, v1;
	[dreg:$0xf] =	wrdreg s26;
	s26 =	simm.s32 $0x11780;
	s0 =	simm.s32 $0x1B880  }
.LBB2_1:
0x1e: {  	s5 =	rddreg [dreg:$0x6]  }
0x1f: {  	[tilespmem:s3], [sflag:$0x8] =	stream.linear.gather [hbm4b:s5+s3], $0x2710, $0x38;
	[tilespmem:$0x1B980] =	vst v63  }
0x20: {  	_ =	swait.ge [sflag:s15], $0x2710  }
0x21: {  	[sflag:s15] =	ssyncset.done $0x0  }
0x22: {  	s12 =	rddreg [dreg:$0x7];
	[sflag:s15] =	ssyncadd.s32 $0xFFFFD8F0  }
0x23: {  	[tilespmem:s13], [sflag:$0x7] =	stream.linear.gather [hbm4b:s12+s3], $0x400, $0x38;
	[tilespmem:$0x1B980] =	vst v63  }
0x24: {  	s16 =	rddreg [dreg:$0xf];
	s12 =	simm.s32 $0x1AF80  }
0x25: {  	[tilespmem:s12], [sflag:$0x7] =	stream.linear.gather [hbm4b:s16+s3], $0x400, $0x38;
	[tilespmem:$0x1B980] =	vst v63  }
0x26: {  	v3 =	vld [tilespmem:$0x2700];
	_ =	sdelay $0x4  }
0x27: {  	v4 =	vperm.xlane v3, v0;
	_ =	sdelay $0x1  }
0x28: {  	v3 =	vperm.xlane v3, v2;
	v4 =	vadd.s32 v1, v4;
	_ =	sdelay $0x1  }
0x29: {  	v3 =	vadd.s32 v1, v3;
	_ =	sdelay $0x1  }
0x2a: {  	s17 =	simm.s32 $0x1AB80  }
0x2b: {  	[tilespmem:s17], [sflag:$0x7] =	stream.indirect_vreg.gather [hbm4b:s1+s3], $0x80, v4, vm0, $0xb8;
	[tilespmem:$0x1B980] =	vst v63  }
0x2c: {  	s12 =	simm.s32 $0x1B380  }
0x2d: {  	[tilespmem:s12], [sflag:$0x7] =	stream.indirect_vreg.gather [hbm4b:s1+s3], $0x80, v3, vm0, $0xb8;
	[tilespmem:$0x1B980] =	vst v63  }
0x2e: {  	v3 =	vld [tilespmem:$0x0]  }
0x2f: {  	v4 =	vld [tilespmem:$0x10]  }
0x30: {  	v5 =	vld [tilespmem:$0x20]  }
0x31: {  	v6 =	vld [tilespmem:$0x30]  }
0x32: {  	v7 =	vld [tilespmem:$0x40]  }
0x33: {  	v50 =	vld [tilespmem:$0x60];
	[tilespmem:$0x1B780] =	vst v3  }
0x34: {  	v3 =	vld [tilespmem:$0x50];
	[tilespmem:$0x1B790] =	vst v4  }
0x35: {  	v51 =	vld [tilespmem:$0x70];
	[tilespmem:$0x1B7A0] =	vst v5  }
0x36: {  	v52 =	vld [tilespmem:$0x80];
	[tilespmem:$0x1B7B0] =	vst v6  }
0x37: {  	v53 =	vld [tilespmem:$0x90];
	[tilespmem:$0x1B7C0] =	vst v7  }
0x38: {  	v54 =	vld [tilespmem:$0xB0];
	[tilespmem:$0x1B800] =	vst v50  }
0x39: {  	[tilespmem:$0x1B7D0] =	vst v3;
	v3 =	vld [tilespmem:$0xA0]  }
0x3a: {  	[tilespmem:$0x1B810] =	vst v51  }
0x3b: {  	[tilespmem:$0x1B820] =	vst v52  }
0x3c: {  	[tilespmem:$0x1B830] =	vst v53  }
0x3d: {  	[tilespmem:$0x1B850] =	vst v54  }
0x3e: {  	s13 =	rddreg [dreg:$0x8];
	[tilespmem:$0x1B840] =	vst v3  }
0x3f: {  	[tilespmem:s21], [sflag:$0x1] =	stream.linear.gather [hbm4b:s13+s3], $0x6000, $0x38;
	[tilespmem:$0x1B980] =	vst v63  }
0x40: {  	_ = 	snop  }
0x41: {  	[tilespmem:s24], [sflag:$0x2] =	stream.indirect.gather [hbm4b:s1+s22], $0x80, s23, s22, $0xb8;
	[tilespmem:$0x1B980] =	vst v63  }
0x42: {  	_ = 	snop  }
0x43: {  	[tilespmem:s26], [sflag:$0x2] =	stream.indirect.gather [hbm4b:s1+s22], $0x80, s25, s22, $0xb8;
	[tilespmem:$0x1B980] =	vst v63  }
0x44: {  	_ =	swait.ge [sflag:s28], $0x6000  }
0x45: {  	[sflag:s28] =	ssyncset.done $0x0  }
0x46: {  	[sflag:s28] =	ssyncadd.s32 $0xFFFFA000  }
0x47: {  	_ =	swait.ge [sflag:s29], $0x3000  }
0x48: {  	[sflag:s29] =	ssyncset.done $0x0  }
0x49: {  	[sflag:s29] =	ssyncadd.s32 $0xFFFFD000  }
0x4a: {  	_ =	swait.ge [sflag:s29], $0x3000  }
0x4b: {  	[sflag:s29] =	ssyncset.done $0x0  }
0x4c: {  	[sflag:s29] =	ssyncadd.s32 $0xFFFFD000  }
0x4d: {  	[hbm4b:s7+s30] =	stream.strided.scatter [tilespmem:s21], [sflag:$0x3], $0x6000, s31, s30, $0x38;
	[tilespmem:$0x1B980] =	vst v63  }
0x4e: {  	s16 =	rddreg [dreg:$0x9]  }
0x4f: {  	[hbm4b:s16+s30] =	stream.strided.scatter [tilespmem:s24], [sflag:$0x3], $0x6000, s31, s30, $0x38;
	[tilespmem:$0x1B980] =	vst v63  }
0x50: {  	v3 =	vld [tilespmem:$0xC0]  }
0x51: {  	v55 =	vld [tilespmem:$0xD0]  }
0x52: {  	v56 =	vld [tilespmem:$0xE0]  }
0x53: {  	v57 =	vld [tilespmem:$0xF0]  }
0x54: {  	v58 =	vld [tilespmem:$0x100]  }
0x55: {  	v59 =	vld [tilespmem:$0x120];
	[tilespmem:$0x1B880] =	vst v3  }
0x56: {  	v3 =	vld [tilespmem:$0x110];
	[tilespmem:$0x1B890] =	vst v55  }
0x57: {  	v60 =	vld [tilespmem:$0x130];
	[tilespmem:$0x1B8A0] =	vst v56  }
0x58: {  	v61 =	vld [tilespmem:$0x140];
	[tilespmem:$0x1B8B0] =	vst v57  }
0x59: {  	v62 =	vld [tilespmem:$0x150];
	[tilespmem:$0x1B8C0] =	vst v58  }
0x5a: {  	v63 =	vld [tilespmem:$0x170];
	[tilespmem:$0x1B900] =	vst v59  }
0x5b: {  	[tilespmem:$0x1B8D0] =	vst v3;
	v3 =	vld [tilespmem:$0x160]  }
0x5c: {  	[tilespmem:$0x1B910] =	vst v60  }
0x5d: {  	[tilespmem:$0x1B920] =	vst v61  }
0x5e: {  	[tilespmem:$0x1B930] =	vst v62  }
0x5f: {  	[tilespmem:$0x1B950] =	vst v63  }
0x60: {  	s17 =	rddreg [dreg:$0xa];
	[tilespmem:$0x1B940] =	vst v3  }
0x61: {  	[tilespmem:s2], [sflag:$0x4] =	stream.linear.gather [hbm4b:s17+s3], $0x6000, $0x38;
	[tilespmem:$0x1B980] =	vst v63  }
0x62: {  	_ = 	snop  }
0x63: {  	[tilespmem:s18], [sflag:$0x5] =	stream.indirect.gather [hbm4b:s1+s22], $0x80, s0, s22, $0xb8;
	[tilespmem:$0x1B980] =	vst v63  }
0x64: {  	_ = 	snop  }
0x65: {  	[tilespmem:s20], [sflag:$0x5] =	stream.indirect.gather [hbm4b:s1+s22], $0x80, s19, s22, $0xb8;
	[tilespmem:$0x1B980] =	vst v63  }
0x66: {  	_ =	swait.ge [sflag:s4], $0x6000  }
0x67: {  	[sflag:s4] =	ssyncset.done $0x0  }
0x68: {  	[sflag:s4] =	ssyncadd.s32 $0xFFFFA000  }
0x69: {  	_ =	swait.ge [sflag:s6], $0x3000  }
0x6a: {  	[sflag:s6] =	ssyncset.done $0x0  }
0x6b: {  	[sflag:s6] =	ssyncadd.s32 $0xFFFFD000  }
0x6c: {  	_ =	swait.ge [sflag:s6], $0x3000  }
0x6d: {  	s12 =	rddreg [dreg:$0x5]  }
0x6e: {  	[sflag:s6] =	ssyncset.done $0x0;
	s12 =	sadd.s32 $0x0, s12  }
0x6f: {  	[sflag:s6] =	ssyncadd.s32 $0xFFFFD000;
	s5 =	sadd.s32 $0x1800, s12  }
0x70: {  	[hbm4b:s5+s30] =	stream.strided.scatter [tilespmem:s2], [sflag:$0x6], $0x6000, s31, s30, $0x38;
	[tilespmem:$0x1B980] =	vst v63  }
0x71: {  	s13 =	sadd.s32 $0x1880, s12  }
0x72: {  	[hbm4b:s13+s30] =	stream.strided.scatter [tilespmem:s18], [sflag:$0x6], $0x6000, s31, s30, $0x38;
	[tilespmem:$0x1B980] =	vst v63  }
0x73: {  	_ =	swait.ge [sflag:s8], $0x6000  }
0x74: {  	[sflag:s8] =	ssyncset.done $0x0  }
0x75: {  	[sflag:s8] =	ssyncadd.s32 $0xFFFFA000  }
0x76: {  	_ =	swait.ge [sflag:s8], $0x6000  }
0x77: {  	[sflag:s8] =	ssyncset.done $0x0  }
0x78: {  	s5 =	simm.s32 $0x2F0;
	[sflag:s8] =	ssyncadd.s32 $0xFFFFA000  }
0x79: {  	v3 =	vld [tilespmem:s5+$0xFFFFFE90];
	_ =	sdelay $0x4  }
0x7a: {  	[tilespmem:$0x1B780] =	vst v3  }
0x7b: {  	v3 =	vld [tilespmem:s5+$0xFFFFFEA0];
	_ =	sdelay $0x4  }
0x7c: {  	[tilespmem:$0x1B790] =	vst v3  }
0x7d: {  	v3 =	vld [tilespmem:s5+$0xFFFFFEB0];
	_ =	sdelay $0x4  }
0x7e: {  	[tilespmem:$0x1B7A0] =	vst v3  }
0x7f: {  	v3 =	vld [tilespmem:s5+$0xFFFFFEC0];
	_ =	sdelay $0x4  }
0x80: {  	[tilespmem:$0x1B7B0] =	vst v3  }
0x81: {  	v3 =	vld [tilespmem:s5+$0xFFFFFED0];
	_ =	sdelay $0x4  }
0x82: {  	[tilespmem:$0x1B7C0] =	vst v3  }
0x83: {  	v3 =	vld [tilespmem:s5+$0xFFFFFEE0];
	_ =	sdelay $0x4  }
0x84: {  	[tilespmem:$0x1B7D0] =	vst v3  }
0x85: {  	v3 =	vld [tilespmem:s5+$0xFFFFFEF0];
	_ =	sdelay $0x4  }
0x86: {  	[tilespmem:$0x1B800] =	vst v3  }
0x87: {  	v3 =	vld [tilespmem:s5+$0xFFFFFF00];
	_ =	sdelay $0x4  }
0x88: {  	[tilespmem:$0x1B810] =	vst v3  }
0x89: {  	v3 =	vld [tilespmem:s5+$0xFFFFFF10];
	_ =	sdelay $0x4  }
0x8a: {  	[tilespmem:$0x1B820] =	vst v3  }
0x8b: {  	v3 =	vld [tilespmem:s5+$0xFFFFFF20];
	_ =	sdelay $0x4  }
0x8c: {  	[tilespmem:$0x1B830] =	vst v3  }
0x8d: {  	v3 =	vld [tilespmem:s5+$0xFFFFFF30];
	_ =	sdelay $0x4  }
0x8e: {  	[tilespmem:$0x1B840] =	vst v3  }
0x8f: {  	v3 =	vld [tilespmem:s5+$0xFFFFFF40];
	_ =	sdelay $0x4  }
0x90: {  	s16 =	sadd.s32 $0xFFFFF400, s14;
	[tilespmem:$0x1B850] =	vst v3  }
0x91: {  	[tilespmem:s21], [sflag:$0x1] =	stream.linear.gather [hbm4b:s16+s3], $0x6000, $0x38;
	[tilespmem:$0x1B980] =	vst v63  }
0x92: {  	_ = 	snop  }
0x93: {  	[tilespmem:s24], [sflag:$0x2] =	stream.indirect.gather [hbm4b:s1+s22], $0x80, s23, s22, $0xb8;
	[tilespmem:$0x1B980] =	vst v63  }
0x94: {  	_ = 	snop  }
0x95: {  	[tilespmem:s26], [sflag:$0x2] =	stream.indirect.gather [hbm4b:s1+s22], $0x80, s25, s22, $0xb8;
	[tilespmem:$0x1B980] =	vst v63  }
0x96: {  	_ =	swait.ge [sflag:s28], $0x6000  }
0x97: {  	[sflag:s28] =	ssyncset.done $0x0  }
0x98: {  	[sflag:s28] =	ssyncadd.s32 $0xFFFFA000  }
0x99: {  	_ =	swait.ge [sflag:s29], $0x3000  }
0x9a: {  	[sflag:s29] =	ssyncset.done $0x0  }
0x9b: {  	[sflag:s29] =	ssyncadd.s32 $0xFFFFD000  }
0x9c: {  	_ =	swait.ge [sflag:s29], $0x3000  }
0x9d: {  	[sflag:s29] =	ssyncset.done $0x0  }
0x9e: {  	s17 =	sadd.s32 $0x3000, s12;
	[sflag:s29] =	ssyncadd.s32 $0xFFFFD000  }
0x9f: {  	[hbm4b:s17+s30] =	stream.strided.scatter [tilespmem:s21], [sflag:$0x3], $0x6000, s31, s30, $0x38;
	[tilespmem:$0x1B980] =	vst v63  }
0xa0: {  	s12 =	sadd.s32 $0x3080, s12  }
0xa1: {  	[hbm4b:s12+s30] =	stream.strided.scatter [tilespmem:s24], [sflag:$0x3], $0x6000, s31, s30, $0x38;
	[tilespmem:$0x1B980] =	vst v63  }
0xa2: {  	_ =	swait.ge [sflag:s9], $0x6000  }
0xa3: {  	[sflag:s9] =	ssyncset.done $0x0  }
0xa4: {  	[sflag:s9] =	ssyncadd.s32 $0xFFFFA000  }
0xa5: {  	_ =	swait.ge [sflag:s9], $0x6000  }
0xa6: {  	[sflag:s9] =	ssyncset.done $0x0  }
0xa7: {  	[sflag:s9] =	ssyncadd.s32 $0xFFFFA000  }
0xa8: {  	v3 =	vld [tilespmem:s5+$0xFFFFFF50];
	_ =	sdelay $0x4  }
0xa9: {  	[tilespmem:$0x1B880] =	vst v3  }
0xaa: {  	v3 =	vld [tilespmem:s5+$0xFFFFFF60];
	_ =	sdelay $0x4  }
0xab: {  	[tilespmem:$0x1B890] =	vst v3  }
0xac: {  	v3 =	vld [tilespmem:s5+$0xFFFFFF70];
	_ =	sdelay $0x4  }
0xad: {  	[tilespmem:$0x1B8A0] =	vst v3  }
0xae: {  	v3 =	vld [tilespmem:s5+$0xFFFFFF80];
	_ =	sdelay $0x4  }
0xaf: {  	[tilespmem:$0x1B8B0] =	vst v3  }
0xb0: {  	v3 =	vld [tilespmem:s5+$0xFFFFFF90];
	_ =	sdelay $0x4  }
0xb1: {  	[tilespmem:$0x1B8C0] =	vst v3  }
0xb2: {  	v3 =	vld [tilespmem:s5+$0xFFFFFFA0];
	_ =	sdelay $0x4  }
0xb3: {  	[tilespmem:$0x1B8D0] =	vst v3  }
0xb4: {  	v3 =	vld [tilespmem:s5+$0xFFFFFFB0];
	_ =	sdelay $0x4  }
0xb5: {  	[tilespmem:$0x1B900] =	vst v3  }
0xb6: {  	v3 =	vld [tilespmem:s5+$0xFFFFFFC0];
	_ =	sdelay $0x4  }
0xb7: {  	[tilespmem:$0x1B910] =	vst v3  }
0xb8: {  	v3 =	vld [tilespmem:s5+$0xFFFFFFD0];
	_ =	sdelay $0x4  }
0xb9: {  	[tilespmem:$0x1B920] =	vst v3  }
0xba: {  	v3 =	vld [tilespmem:s5+$0xFFFFFFE0];
	_ =	sdelay $0x4  }
0xbb: {  	[tilespmem:$0x1B930] =	vst v3  }
0xbc: {  	v3 =	vld [tilespmem:s5+$0xFFFFFFF0];
	_ =	sdelay $0x4  }
0xbd: {  	[tilespmem:$0x1B940] =	vst v3  }
0xbe: {  	v3 =	vld [tilespmem:s5+$0x0];
	_ =	sdelay $0x4  }
0xbf: {  	[tilespmem:$0x1B950] =	vst v3  }
0xc0: {  	[tilespmem:s2], [sflag:$0x4] =	stream.linear.gather [hbm4b:s14+s3], $0x6000, $0x38;
	[tilespmem:$0x1B980] =	vst v63  }
0xc1: {  	s16 =	simm.s32 $0x3000;
	s12 =	sadd.s32 $0x1800, s14;
	s5 =	simm.s32 $0x470  }
0xc2: {  	[tilespmem:s18], [sflag:$0x5] =	stream.indirect.gather [hbm4b:s1+s22], $0x80, s0, s22, $0xb8;
	[tilespmem:$0x1B980] =	vst v63  }
.LBB2_2:
0xc3: {  	[tilespmem:s20], [sflag:$0x5] =	stream.indirect.gather [hbm4b:s1+s22], $0x80, s19, s22, $0xb8;
	[tilespmem:$0x1B980] =	vst v63  }
0xc4: {  	_ =	swait.ge [sflag:s4], $0x6000  }
0xc5: {  	[sflag:s4] =	ssyncset.done $0x0  }
0xc6: {  	[sflag:s4] =	ssyncadd.s32 $0xFFFFA000  }
0xc7: {  	_ =	swait.ge [sflag:s6], $0x3000  }
0xc8: {  	[sflag:s6] =	ssyncset.done $0x0  }
0xc9: {  	[sflag:s6] =	ssyncadd.s32 $0xFFFFD000  }
0xca: {  	_ =	swait.ge [sflag:s6], $0x3000  }
0xcb: {  	s13 =	smov.u32 s16;
	s17 =	rddreg [dreg:$0x5]  }
0xcc: {  	[sflag:s6] =	ssyncset.done $0x0;
	s13 =	sadd.s32 s13, s17  }
0xcd: {  	[sflag:s6] =	ssyncadd.s32 $0xFFFFD000;
	s17 =	sadd.s32 $0x1800, s13  }
0xce: {  	[hbm4b:s17+s30] =	stream.strided.scatter [tilespmem:s2], [sflag:$0x6], $0x6000, s31, s30, $0x38;
	[tilespmem:$0x1B980] =	vst v63  }
0xcf: {  	s17 =	sadd.s32 $0x1880, s13  }
0xd0: {  	[hbm4b:s17+s30] =	stream.strided.scatter [tilespmem:s18], [sflag:$0x6], $0x6000, s31, s30, $0x38;
	[tilespmem:$0x1B980] =	vst v63  }
0xd1: {  	_ =	swait.ge [sflag:s8], $0x6000  }
0xd2: {  	[sflag:s8] =	ssyncset.done $0x0  }
0xd3: {  	[sflag:s8] =	ssyncadd.s32 $0xFFFFA000  }
0xd4: {  	_ =	swait.ge [sflag:s8], $0x6000  }
0xd5: {  	[sflag:s8] =	ssyncset.done $0x0  }
0xd6: {  	[sflag:s8] =	ssyncadd.s32 $0xFFFFA000  }
0xd7: {  	v3 =	vld [tilespmem:s5+$0xFFFFFE90];
	_ =	sdelay $0x4  }
0xd8: {  	[tilespmem:$0x1B780] =	vst v3  }
0xd9: {  	v3 =	vld [tilespmem:s5+$0xFFFFFEA0];
	_ =	sdelay $0x4  }
0xda: {  	[tilespmem:$0x1B790] =	vst v3  }
0xdb: {  	v3 =	vld [tilespmem:s5+$0xFFFFFEB0];
	_ =	sdelay $0x4  }
0xdc: {  	[tilespmem:$0x1B7A0] =	vst v3  }
0xdd: {  	v3 =	vld [tilespmem:s5+$0xFFFFFEC0];
	_ =	sdelay $0x4  }
0xde: {  	[tilespmem:$0x1B7B0] =	vst v3  }
0xdf: {  	v3 =	vld [tilespmem:s5+$0xFFFFFED0];
	_ =	sdelay $0x4  }
0xe0: {  	[tilespmem:$0x1B7C0] =	vst v3  }
0xe1: {  	v3 =	vld [tilespmem:s5+$0xFFFFFEE0];
	_ =	sdelay $0x4  }
0xe2: {  	[tilespmem:$0x1B7D0] =	vst v3  }
0xe3: {  	v3 =	vld [tilespmem:s5+$0xFFFFFEF0];
	_ =	sdelay $0x4  }
0xe4: {  	[tilespmem:$0x1B800] =	vst v3  }
0xe5: {  	v3 =	vld [tilespmem:s5+$0xFFFFFF00];
	_ =	sdelay $0x4  }
0xe6: {  	[tilespmem:$0x1B810] =	vst v3  }
0xe7: {  	v3 =	vld [tilespmem:s5+$0xFFFFFF10];
	_ =	sdelay $0x4  }
0xe8: {  	[tilespmem:$0x1B820] =	vst v3  }
0xe9: {  	v3 =	vld [tilespmem:s5+$0xFFFFFF20];
	_ =	sdelay $0x4  }
0xea: {  	[tilespmem:$0x1B830] =	vst v3  }
0xeb: {  	v3 =	vld [tilespmem:s5+$0xFFFFFF30];
	_ =	sdelay $0x4  }
0xec: {  	[tilespmem:$0x1B840] =	vst v3  }
0xed: {  	v3 =	vld [tilespmem:s5+$0xFFFFFF40];
	_ =	sdelay $0x4  }
0xee: {  	s17 =	sadd.s32 $0xFFFFF400, s12;
	[tilespmem:$0x1B850] =	vst v3  }
0xef: {  	[tilespmem:s21], [sflag:$0x1] =	stream.linear.gather [hbm4b:s17+s3], $0x6000, $0x38;
	[tilespmem:$0x1B980] =	vst v63  }
0xf0: {  	_ = 	snop  }
0xf1: {  	[tilespmem:s24], [sflag:$0x2] =	stream.indirect.gather [hbm4b:s1+s22], $0x80, s23, s22, $0xb8;
	[tilespmem:$0x1B980] =	vst v63  }
0xf2: {  	_ = 	snop  }
0xf3: {  	[tilespmem:s26], [sflag:$0x2] =	stream.indirect.gather [hbm4b:s1+s22], $0x80, s25, s22, $0xb8;
	[tilespmem:$0x1B980] =	vst v63  }
0xf4: {  	_ =	swait.ge [sflag:s28], $0x6000  }
0xf5: {  	[sflag:s28] =	ssyncset.done $0x0  }
0xf6: {  	[sflag:s28] =	ssyncadd.s32 $0xFFFFA000  }
0xf7: {  	_ =	swait.ge [sflag:s29], $0x3000  }
0xf8: {  	[sflag:s29] =	ssyncset.done $0x0  }
0xf9: {  	[sflag:s29] =	ssyncadd.s32 $0xFFFFD000  }
0xfa: {  	_ =	swait.ge [sflag:s29], $0x3000  }
0xfb: {  	[sflag:s29] =	ssyncset.done $0x0  }
0xfc: {  	s17 =	sadd.s32 $0x3000, s13;
	[sflag:s29] =	ssyncadd.s32 $0xFFFFD000  }
0xfd: {  	[hbm4b:s17+s30] =	stream.strided.scatter [tilespmem:s21], [sflag:$0x3], $0x6000, s31, s30, $0x38;
	[tilespmem:$0x1B980] =	vst v63  }
0xfe: {  	s13 =	sadd.s32 $0x3080, s13  }
0xff: {  	[hbm4b:s13+s30] =	stream.strided.scatter [tilespmem:s24], [sflag:$0x3], $0x6000, s31, s30, $0x38;
	[tilespmem:$0x1B980] =	vst v63  }
0x100: {  	_ =	swait.ge [sflag:s9], $0x6000  }
0x101: {  	[sflag:s9] =	ssyncset.done $0x0  }
0x102: {  	[sflag:s9] =	ssyncadd.s32 $0xFFFFA000  }
0x103: {  	_ =	swait.ge [sflag:s9], $0x6000  }
0x104: {  	[sflag:s9] =	ssyncset.done $0x0  }
0x105: {  	[sflag:s9] =	ssyncadd.s32 $0xFFFFA000  }
0x106: {  	v3 =	vld [tilespmem:s5+$0xFFFFFF50];
	_ =	sdelay $0x4  }
0x107: {  	[tilespmem:$0x1B880] =	vst v3  }
0x108: {  	v3 =	vld [tilespmem:s5+$0xFFFFFF60];
	_ =	sdelay $0x4  }
0x109: {  	[tilespmem:$0x1B890] =	vst v3  }
0x10a: {  	v3 =	vld [tilespmem:s5+$0xFFFFFF70];
	_ =	sdelay $0x4  }
0x10b: {  	[tilespmem:$0x1B8A0] =	vst v3  }
0x10c: {  	v3 =	vld [tilespmem:s5+$0xFFFFFF80];
	_ =	sdelay $0x4  }
0x10d: {  	[tilespmem:$0x1B8B0] =	vst v3  }
0x10e: {  	v3 =	vld [tilespmem:s5+$0xFFFFFF90];
	_ =	sdelay $0x4  }
0x10f: {  	[tilespmem:$0x1B8C0] =	vst v3  }
0x110: {  	v3 =	vld [tilespmem:s5+$0xFFFFFFA0];
	_ =	sdelay $0x4  }
0x111: {  	[tilespmem:$0x1B8D0] =	vst v3  }
0x112: {  	v3 =	vld [tilespmem:s5+$0xFFFFFFB0];
	_ =	sdelay $0x4  }
0x113: {  	[tilespmem:$0x1B900] =	vst v3  }
0x114: {  	v3 =	vld [tilespmem:s5+$0xFFFFFFC0];
	_ =	sdelay $0x4  }
0x115: {  	[tilespmem:$0x1B910] =	vst v3  }
0x116: {  	v3 =	vld [tilespmem:s5+$0xFFFFFFD0];
	_ =	sdelay $0x4  }
0x117: {  	[tilespmem:$0x1B920] =	vst v3  }
0x118: {  	v3 =	vld [tilespmem:s5+$0xFFFFFFE0];
	_ =	sdelay $0x4  }
0x119: {  	[tilespmem:$0x1B930] =	vst v3  }
0x11a: {  	v3 =	vld [tilespmem:s5+$0xFFFFFFF0];
	_ =	sdelay $0x4  }
0x11b: {  	[tilespmem:$0x1B940] =	vst v3  }
0x11c: {  	v3 =	vld [tilespmem:s5+$0x0];
	_ =	sdelay $0x2  }
0x11d: {  	p0 =	sne.s32 s16, $0x48000  }
.Ltmp0:
0x11e: {  	_ = 	snop;
	(pc) =	sbr.rel @p0 .LBB2_2-.Ltmp0, $4  }
0x11f: {  	[tilespmem:$0x1B950] =	vst v3  }
0x120: {  	[tilespmem:s2], [sflag:$0x4] =	stream.linear.gather [hbm4b:s12+s3], $0x6000, $0x38;
	[tilespmem:$0x1B980] =	vst v63  }
0x121: {  	s16 =	sadd.s32 $0x3000, s16;
	s5 =	sadd.s32 $0x180, s5;
	s12 =	sadd.s32 $0x1800, s12  }
0x122: {  	[tilespmem:s18], [sflag:$0x5] =	stream.indirect.gather [hbm4b:s1+s22], $0x80, s0, s22, $0xb8;
	[tilespmem:$0x1B980] =	vst v63  }
0x123: {  	[tilespmem:s20], [sflag:$0x5] =	stream.indirect.gather [hbm4b:s1+s22], $0x80, s19, s22, $0xb8;
	[tilespmem:$0x1B980] =	vst v63  }
0x124: {  	_ =	swait.ge [sflag:s4], $0x6000  }
0x125: {  	[sflag:s4] =	ssyncset.done $0x0  }
0x126: {  	[sflag:s4] =	ssyncadd.s32 $0xFFFFA000  }
0x127: {  	_ =	swait.ge [sflag:s6], $0x3000  }
0x128: {  	[sflag:s6] =	ssyncset.done $0x0  }
0x129: {  	[sflag:s6] =	ssyncadd.s32 $0xFFFFD000  }
0x12a: {  	_ =	swait.ge [sflag:s6], $0x3000  }
0x12b: {  	[sflag:s6] =	ssyncset.done $0x0  }
0x12c: {  	s5 =	rddreg [dreg:$0xb];
	[sflag:s6] =	ssyncadd.s32 $0xFFFFD000  }
0x12d: {  	[hbm4b:s5+s30] =	stream.strided.scatter [tilespmem:s2], [sflag:$0x6], $0x6000, s31, s30, $0x38;
	[tilespmem:$0x1B980] =	vst v63  }
0x12e: {  	s13 =	rddreg [dreg:$0xc]  }
0x12f: {  	[hbm4b:s13+s30] =	stream.strided.scatter [tilespmem:s18], [sflag:$0x6], $0x6000, s31, s30, $0x38;
	[tilespmem:$0x1B980] =	vst v63  }
0x130: {  	_ =	swait.ge [sflag:s8], $0x6000  }
0x131: {  	[sflag:s8] =	ssyncset.done $0x0  }
0x132: {  	[sflag:s8] =	ssyncadd.s32 $0xFFFFA000  }
0x133: {  	_ =	swait.ge [sflag:s8], $0x6000  }
0x134: {  	[sflag:s8] =	ssyncset.done $0x0  }
0x135: {  	[sflag:s8] =	ssyncadd.s32 $0xFFFFA000  }
0x136: {  	_ =	swait.ge [sflag:s9], $0x6000  }
0x137: {  	[sflag:s9] =	ssyncset.done $0x0  }
0x138: {  	[sflag:s9] =	ssyncadd.s32 $0xFFFFA000  }
0x139: {  	_ =	swait.ge [sflag:s9], $0x6000  }
0x13a: {  	[sflag:s9] =	ssyncset.done $0x0  }
0x13b: {  	[sflag:s9] =	ssyncadd.s32 $0xFFFFA000  }
0x13c: {  	_ =	swait.ge [sflag:s10], $0x800  }
0x13d: {  	[sflag:s10] =	ssyncset.done $0x0  }
0x13e: {  	[sflag:s10] =	ssyncadd.s32 $0xFFFFF800  }
0x13f: {  	_ =	swait.ge [sflag:s10], $0x800  }
0x140: {  	[sflag:s10] =	ssyncset.done $0x0  }
0x141: {  	s13 =	simm.s32 $0x1A780;
	s16 =	rddreg [dreg:$0xd];
	[sflag:s10] =	ssyncadd.s32 $0xFFFFF800  }
0x142: {  	[hbm4b:s16+s3] =	stream.linear.scatter [tilespmem:s13], [sflag:$0x8], $0x1000, $0x38;
	[tilespmem:$0x1B980] =	vst v63  }
0x143: {  	_ =	swait.ge [sflag:s15], $0x1000  }
0x144: {  	s11 =	sadd.s32 $0x1, s11;
	s17 =	rddreg [dreg:$0xe]  }
0x145: {  	p0 =	sne.s32 s11, s17  }
.Ltmp1:
0x146: {  	_ = 	snop;
	(pc) =	sbr.rel @p0 .LBB2_1-.Ltmp1, $3  }
0x147: {  	_ =	sdelay $0x1  }
0x148: {  	[sflag:s15] =	ssyncset.done $0x0  }
0x149: {  	[sflag:s15] =	ssyncadd.s32 $0xFFFFF000  }
0x14a: {  	_ =	sfence.sel $0x180000  }
0x14b: {  	[bflag:$0x0] =	sbarrier.arrive $0xFFFF  }
0x14c: {  	_ =	strace $0x90000047  }
0x14d: {  	s0 =	stileid.u32;
	[bflag:$0x2] =	sbarrier.arrive $0xFFFF  }
0x14e: {  	p0 =	sne.s32 s0, $0x0;
	s0 =	rddreg [dreg:$0x4]  }
0x14f: {  	s0 =	sadd.s32 @!p0 $0x100000, s0  }
0x150: {  	[sflag:s0] =	ssyncadd.tile.s32 @!p0 $0x1;
	_ =	shalt  }
.Lfunc_end2:
_tile_overlayer_lowered:
.L_overlay_start_2:
0x151: {  	(tag) =	ssettag $0x2  }
0x152: {  	s0 =	rddreg [dreg:$0x0];
	s2 =	stileid.u32  }
0x153: {  	s1 =	rddreg [dreg:$0x1];
	p0 =	sne.s32 s2, $0x0  }
0x154: {  	s3 =	rddreg [dreg:$0x2];
	[bflag:$0x3] =	sbarrier.arrive $0xFFFF;
	s2 =	simm.s32 @!p0 $0x1C08  }
0x155: {  	[timem:s3], [sflag:s2] =	dma.local @!p0 [hbm:s0], s1  }
0x156: {  	s0 =	simm.s32 @!p0 $0x8  }
0x157: {  	_ =	swait.ge @!p0 [sflag:s0], s1  }
0x158: {  	s1 =	ssub.s32 @!p0 $0x0, s1;
	[sflag:s0] =	ssyncset.done @!p0 $0x0  }
0x159: {  	[sflag:s0] =	ssyncadd.s32 @!p0 s1  }
0x15a: {  	[bflag:$0x3] =	sbarrier.arrive $0xFFFF  }
0x15b: {  	_ =	shalt  }

</sc_bundles>
